<compile_context>
chip_gen: v7x
topology: tpu7x:2x2x1
jax: 0.10.2.dev20260603
libtpu: 0.0.44.dev20260713+nightly
codegen_flags: <defaults>
</compile_context>

<pallas_src>
import functools

import jax
import jax.numpy as jnp
from jax import lax
from jax.experimental import pallas as pl
from jax.experimental.pallas import tpu as pltpu
from jax.experimental.pallas import tpu_sc as plsc

_EMBED = 64
_HIDDEN = 128
_BATCH = 16384

_NC = 2
_NS = 16
_NW = _NC * _NS
_BPW = _BATCH // _NW


def _sc_gather(table3, idx):
  mesh = plsc.VectorSubcoreMesh(core_axis_name="c", subcore_axis_name="s")

  @functools.partial(
      pl.kernel,
      mesh=mesh,
      out_type=jax.ShapeDtypeStruct((_BATCH // 8, 8, _EMBED), jnp.float32),
      scratch_types=[
          pltpu.VMEM((_BPW,), jnp.int32),
          pltpu.VMEM((_BPW // 8, 8, _EMBED), jnp.float32),
          pltpu.SemaphoreType.DMA,
      ],
  )
  def k(table_hbm, idx_hbm, out_hbm, idx_v, rows_v, sem):
    wid = lax.axis_index("s") * _NC + lax.axis_index("c")
    pltpu.sync_copy(idx_hbm.at[wid], idx_v)

    def body(g, carry):
      for h in range(2):
        v = idx_v[pl.ds(g * 32 + h * 16, 16)]
        for l in range(16):
          t = v[l]
          pltpu.make_async_copy(
              table_hbm.at[t >> 3, t & 7],
              rows_v.at[4 * g + 2 * h + l // 8, l % 8],
              sem,
          ).start()

      @pl.when(g >= 2)
      def _():
        pltpu.make_async_copy(
            table_hbm.at[pl.ds(0, 4)],
            rows_v.at[pl.ds((g - 2) * 4, 4)],
            sem,
        ).wait()

      return carry

    ngroups = _BPW // 32
    lax.fori_loop(0, ngroups, body, 0)
    pltpu.make_async_copy(
        table_hbm.at[pl.ds(0, 8)],
        rows_v.at[pl.ds(_BPW // 8 - 8, 8)],
        sem,
    ).wait()
    pltpu.sync_copy(rows_v, out_hbm.at[pl.ds(wid * (_BPW // 8), _BPW // 8)])

  return k(table3, idx)


def _mlp_body(x_ref, w1t_ref, b1_ref, w2t_ref, b2_ref, out_ref):
  h = lax.dot_general(
      w1t_ref[...], x_ref[...], (((1,), (1,)), ((), ())),
      preferred_element_type=jnp.float32,
  )
  h = jnp.maximum(h + b1_ref[...], 0.0)
  out = jnp.dot(w2t_ref[...], h, preferred_element_type=jnp.float32)
  out_ref[...] = out + b2_ref[...]


def _tc_mlp_t(x, W1t, b1, W2t, b2):
  bb = 8192
  return pl.pallas_call(
      _mlp_body,
      grid=(_BATCH // bb,),
      in_specs=[
          pl.BlockSpec((bb, _EMBED), lambda i: (i, 0)),
          pl.BlockSpec((_HIDDEN, _EMBED), lambda i: (0, 0)),
          pl.BlockSpec((_HIDDEN, 1), lambda i: (0, 0)),
          pl.BlockSpec((_EMBED, _HIDDEN), lambda i: (0, 0)),
          pl.BlockSpec((_EMBED, 1), lambda i: (0, 0)),
      ],
      out_specs=pl.BlockSpec((_EMBED, bb), lambda i: (0, i)),
      out_shape=jax.ShapeDtypeStruct((_EMBED, _BATCH), jnp.float32),
  )(x, W1t, b1.reshape(_HIDDEN, 1), W2t, b2.reshape(_EMBED, 1))


def kernel(nodes, table, W1, b1, W2, b2):
  idx = nodes.astype(jnp.int32).reshape(_NW, _BPW)
  table3 = table.reshape(table.shape[0] // 8, 8, _EMBED)
  x = _sc_gather(table3, idx).reshape(_BATCH, _EMBED)
  return _tc_mlp_t(x, W1.T, b1, W2.T, b2).T

# --- scband reference (transcript-rebuilt; emitter-appended) ---
"""Pipeline reference for scband-node-embedding-model-76922864271368 (READ-ONLY COPY).

The authoritative reference and input builder live on the scoring server;
editing this copy changes nothing except your own understanding.
"""

import jax, jax.numpy as jnp
import numpy as np

NUM_NODES = 1000000
EMBED_DIM = 64
HIDDEN = 128
BATCH = 16384

def setup_inputs(seed: int = 0) -> dict:
    key = jax.random.key(seed)
    k_idx, k_tab, k_w1, k_b1, k_w2, k_b2 = jax.random.split(key, 6)
    nodes = jax.random.randint(k_idx, (BATCH,), 0, NUM_NODES, dtype=jnp.int64 if jax.config.jax_enable_x64 else jnp.int32)
    table = jax.random.normal(k_tab, (NUM_NODES, EMBED_DIM), dtype=jnp.float32)
    W1 = jax.random.normal(k_w1, (EMBED_DIM, HIDDEN), dtype=jnp.float32) * (1.0 / np.sqrt(EMBED_DIM))
    b1 = jnp.zeros((HIDDEN,), dtype=jnp.float32)
    W2 = jax.random.normal(k_w2, (HIDDEN, EMBED_DIM), dtype=jnp.float32) * (1.0 / np.sqrt(HIDDEN))
    b2 = jnp.zeros((EMBED_DIM,), dtype=jnp.float32)
    return {"nodes": nodes, "table": table, "W1": W1, "b1": b1, "W2": W2, "b2": b2}

def reference(nodes, table, W1, b1, W2, b2):
    x = jnp.take(table, nodes, axis=0)
    h = jnp.maximum(x @ W1 + b1, 0.0)
    out = h @ W2 + b2
    return out

if __name__ == "__main__":
    import jax
    _d = setup_inputs()
    print(jax.jit(kernel)(*tuple(_d.values())))

</pallas_src>

<mosaic_0001>
#map = affine_map<(d0, d1) -> (0, 0, 0)>
#map1 = affine_map<(d0, d1) -> (0, 0)>
module attributes {stable_mosaic.version = 14 : i64} {
  func.func @k(%arg0: i32, %arg1: i32, %arg2: memref<125000x8x64xf32, #tpu.memory_space<hbm>>, %arg3: memref<32x512xi32, #tpu.memory_space<hbm>>, %arg4: memref<2048x8x64xf32, #tpu.memory_space<hbm>>, %arg5: memref<512xi32, #tpu.memory_space<vmem>>, %arg6: memref<64x8x64xf32, #tpu.memory_space<vmem>>, %arg7: memref<!tpu.dma_semaphore, #tpu.memory_space<semaphore_mem>>) attributes {dimension_semantics = [#tpu.dimension_semantics<core_parallel>, #tpu.dimension_semantics<subcore_parallel>], iteration_bounds = array<i64: 2, 16>, scalar_prefetch = 0 : i64, scratch_operands = 3 : i64, tpu.core_type = #tpu.core_type<sc_vector_subcore>, window_params = [{transform_indices = #map}, {transform_indices = #map1}, {transform_indices = #map}]} {
    %mul3A = arith.constant 2 : i32
    %mul3A_0 = arith.muli %arg1, %mul3A : i32
    %add3A = arith.addi %mul3A_0, %arg0 : i32
    "tpu.region"() ({
      %run_scoped3A = tpu.sem_alloc : memref<!tpu.dma_semaphore, #tpu.memory_space<semaphore_mem>>
      %dma_start3A = arith.constant 0 : i32
      %dma_start3A_23 = tpu.memref_slice %arg3[%add3A, %dma_start3A] : memref<32x512xi32, #tpu.memory_space<hbm>> -> memref<1x512xi32, #tpu.memory_space<hbm>>
      %dma_start3A_24 = tpu.memref_squeeze %dma_start3A_23 : memref<1x512xi32, #tpu.memory_space<hbm>> -> memref<512xi32, #tpu.memory_space<hbm>>
      %dma_start3A_25 = arith.constant 0 : i32
      %dma_start3A_26 = tpu.memref_slice %arg3[%add3A, %dma_start3A_25] : memref<32x512xi32, #tpu.memory_space<hbm>> -> memref<1x512xi32, #tpu.memory_space<hbm>>
      %dma_start3A_27 = tpu.memref_squeeze %dma_start3A_26 : memref<1x512xi32, #tpu.memory_space<hbm>> -> memref<512xi32, #tpu.memory_space<hbm>>
      tpu.enqueue_dma source(%dma_start3A_27 : memref<512xi32, #tpu.memory_space<hbm>>) target(%arg5 : memref<512xi32, #tpu.memory_space<vmem>>) target_semaphore(%run_scoped3A : memref<!tpu.dma_semaphore, #tpu.memory_space<semaphore_mem>>)
      %dma_wait3A_28 = arith.constant 0 : i32
      %dma_wait3A_29 = tpu.memref_slice %arg3[%add3A, %dma_wait3A_28] : memref<32x512xi32, #tpu.memory_space<hbm>> -> memref<1x512xi32, #tpu.memory_space<hbm>>
      %dma_wait3A_30 = tpu.memref_squeeze %dma_wait3A_29 : memref<1x512xi32, #tpu.memory_space<hbm>> -> memref<512xi32, #tpu.memory_space<hbm>>
      %dma_wait3A_31 = arith.constant 0 : i32
      %dma_wait3A_32 = tpu.memref_slice %arg3[%add3A, %dma_wait3A_31] : memref<32x512xi32, #tpu.memory_space<hbm>> -> memref<1x512xi32, #tpu.memory_space<hbm>>
      %dma_wait3A_33 = tpu.memref_squeeze %dma_wait3A_32 : memref<1x512xi32, #tpu.memory_space<hbm>> -> memref<512xi32, #tpu.memory_space<hbm>>
      tpu.wait_dma2 semaphore(%run_scoped3A : memref<!tpu.dma_semaphore, #tpu.memory_space<semaphore_mem>>) src(%dma_wait3A_33 : memref<512xi32, #tpu.memory_space<hbm>>) dst(%arg5 : memref<512xi32, #tpu.memory_space<vmem>>)
      tpu.yield
    }) : () -> ()
    %scan3A = arith.constant 0 : i32
    %scan3A_1 = arith.constant 0 : i32
    %scan3A_2 = arith.constant 16 : i32
    %scan3A_3 = arith.addi %scan3A_1, %scan3A_2 : i32
    %scan3A_4 = arith.constant 1 : i32
    scf.for %scan3A_23 = %scan3A_1 to %scan3A_3 step %scan3A_4  : i32 {
      %mul3A_24 = arith.constant 32 : i32
      %mul3A_25 = arith.muli %scan3A_23, %mul3A_24 : i32
      %add3A_26 = arith.constant 0 : i32
      %add3A_27 = arith.addi %mul3A_25, %add3A_26 : i32
      %get3A = arith.index_cast %add3A_27 : i32 to index
      %get3A_28 = tpu.vector_load %arg5[%get3A] {strides = array<i32>} : memref<512xi32, #tpu.memory_space<vmem>>, vector<16xi32>,
      %get3A_29 = vector.shape_cast %get3A_28 : vector<16xi32> to vector<16xi32>
      %slice3A = vector.extract_strided_slice %get3A_29 {offsets = [0], sizes = [1], strides = [1]} : vector<16xi32> to vector<1xi32>
      %squeeze3A = vector.extract %slice3A[0] : i32 from vector<1xi32>
      %shift_right_arithmetic3A = arith.constant 3 : i32
      %shift_right_arithmetic3A_30 = arith.shrsi %squeeze3A, %shift_right_arithmetic3A : i32
      %and3A = arith.constant 7 : i32
      %and3A_31 = arith.andi %squeeze3A, %and3A : i32
      %mul3A_32 = arith.constant 4 : i32
      %mul3A_33 = arith.muli %mul3A_32, %scan3A_23 : i32
      %add3A_34 = arith.constant 0 : i32
      %add3A_35 = arith.addi %mul3A_33, %add3A_34 : i32
      %add3A_36 = arith.constant 0 : i32
      %add3A_37 = arith.addi %add3A_35, %add3A_36 : i32
      %dma_start3A = arith.constant 0 : i32
      %dma_start3A_38 = arith.constant 0 : i32
      %dma_start3A_39 = tpu.memref_slice %arg6[%add3A_37, %dma_start3A, %dma_start3A_38] : memref<64x8x64xf32, #tpu.memory_space<vmem>> -> memref<1x1x64xf32, #tpu.memory_space<vmem>>
      %dma_start3A_40 = tpu.memref_squeeze %dma_start3A_39 : memref<1x1x64xf32, #tpu.memory_space<vmem>> -> memref<64xf32, #tpu.memory_space<vmem>>
      %dma_start3A_41 = arith.constant 0 : i32
      %dma_start3A_42 = tpu.memref_slice %arg2[%shift_right_arithmetic3A_30, %and3A_31, %dma_start3A_41] : memref<125000x8x64xf32, #tpu.memory_space<hbm>> -> memref<1x1x64xf32, #tpu.memory_space<hbm>>
      %dma_start3A_43 = tpu.memref_squeeze %dma_start3A_42 : memref<1x1x64xf32, #tpu.memory_space<hbm>> -> memref<64xf32, #tpu.memory_space<hbm>>
      %dma_start3A_44 = arith.constant 0 : i32
      %dma_start3A_45 = tpu.memref_slice %arg6[%add3A_37, %dma_start3A, %dma_start3A_44] : memref<64x8x64xf32, #tpu.memory_space<vmem>> -> memref<1x1x64xf32, #tpu.memory_space<vmem>>
      %dma_start3A_46 = tpu.memref_squeeze %dma_start3A_45 : memref<1x1x64xf32, #tpu.memory_space<vmem>> -> memref<64xf32, #tpu.memory_space<vmem>>
      %dma_start3A_47 = arith.constant 0 : i32
      %dma_start3A_48 = tpu.memref_slice %arg2[%shift_right_arithmetic3A_30, %and3A_31, %dma_start3A_47] : memref<125000x8x64xf32, #tpu.memory_space<hbm>> -> memref<1x1x64xf32, #tpu.memory_space<hbm>>
      %dma_start3A_49 = tpu.memref_squeeze %dma_start3A_48 : memref<1x1x64xf32, #tpu.memory_space<hbm>> -> memref<64xf32, #tpu.memory_space<hbm>>
      tpu.enqueue_dma source(%dma_start3A_49 : memref<64xf32, #tpu.memory_space<hbm>>) target(%dma_start3A_46 : memref<64xf32, #tpu.memory_space<vmem>>) target_semaphore(%arg7 : memref<!tpu.dma_semaphore, #tpu.memory_space<semaphore_mem>>)
      %slice3A_50 = vector.extract_strided_slice %get3A_29 {offsets = [1], sizes = [1], strides = [1]} : vector<16xi32> to vector<1xi32>
      %squeeze3A_51 = vector.extract %slice3A_50[0] : i32 from vector<1xi32>
      %shift_right_arithmetic3A_52 = arith.constant 3 : i32
      %shift_right_arithmetic3A_53 = arith.shrsi %squeeze3A_51, %shift_right_arithmetic3A_52 : i32
      %and3A_54 = arith.constant 7 : i32
      %and3A_55 = arith.andi %squeeze3A_51, %and3A_54 : i32
      %mul3A_56 = arith.constant 4 : i32
      %mul3A_57 = arith.muli %mul3A_56, %scan3A_23 : i32
      %add3A_58 = arith.constant 0 : i32
      %add3A_59 = arith.addi %mul3A_57, %add3A_58 : i32
      %add3A_60 = arith.constant 0 : i32
      %add3A_61 = arith.addi %add3A_59, %add3A_60 : i32
      %dma_start3A_62 = arith.constant 1 : i32
      %dma_start3A_63 = arith.constant 0 : i32
      %dma_start3A_64 = tpu.memref_slice %arg6[%add3A_61, %dma_start3A_62, %dma_start3A_63] : memref<64x8x64xf32, #tpu.memory_space<vmem>> -> memref<1x1x64xf32, #tpu.memory_space<vmem>>
      %dma_start3A_65 = tpu.memref_squeeze %dma_start3A_64 : memref<1x1x64xf32, #tpu.memory_space<vmem>> -> memref<64xf32, #tpu.memory_space<vmem>>
      %dma_start3A_66 = arith.constant 0 : i32
      %dma_start3A_67 = tpu.memref_slice %arg2[%shift_right_arithmetic3A_53, %and3A_55, %dma_start3A_66] : memref<125000x8x64xf32, #tpu.memory_space<hbm>> -> memref<1x1x64xf32, #tpu.memory_space<hbm>>
      %dma_start3A_68 = tpu.memref_squeeze %dma_start3A_67 : memref<1x1x64xf32, #tpu.memory_space<hbm>> -> memref<64xf32, #tpu.memory_space<hbm>>
      %dma_start3A_69 = arith.constant 0 : i32
      %dma_start3A_70 = tpu.memref_slice %arg6[%add3A_61, %dma_start3A_62, %dma_start3A_69] : memref<64x8x64xf32, #tpu.memory_space<vmem>> -> memref<1x1x64xf32, #tpu.memory_space<vmem>>
      %dma_start3A_71 = tpu.memref_squeeze %dma_start3A_70 : memref<1x1x64xf32, #tpu.memory_space<vmem>> -> memref<64xf32, #tpu.memory_space<vmem>>
      %dma_start3A_72 = arith.constant 0 : i32
      %dma_start3A_73 = tpu.memref_slice %arg2[%shift_right_arithmetic3A_53, %and3A_55, %dma_start3A_72] : memref<125000x8x64xf32, #tpu.memory_space<hbm>> -> memref<1x1x64xf32, #tpu.memory_space<hbm>>
      %dma_start3A_74 = tpu.memref_squeeze %dma_start3A_73 : memref<1x1x64xf32, #tpu.memory_space<hbm>> -> memref<64xf32, #tpu.memory_space<hbm>>
      tpu.enqueue_dma source(%dma_start3A_74 : memref<64xf32, #tpu.memory_space<hbm>>) target(%dma_start3A_71 : memref<64xf32, #tpu.memory_space<vmem>>) target_semaphore(%arg7 : memref<!tpu.dma_semaphore, #tpu.memory_space<semaphore_mem>>)
      %slice3A_75 = vector.extract_strided_slice %get3A_29 {offsets = [2], sizes = [1], strides = [1]} : vector<16xi32> to vector<1xi32>
      %squeeze3A_76 = vector.extract %slice3A_75[0] : i32 from vector<1xi32>
      %shift_right_arithmetic3A_77 = arith.constant 3 : i32
      %shift_right_arithmetic3A_78 = arith.shrsi %squeeze3A_76, %shift_right_arithmetic3A_77 : i32
      %and3A_79 = arith.constant 7 : i32
      %and3A_80 = arith.andi %squeeze3A_76, %and3A_79 : i32
      %mul3A_81 = arith.constant 4 : i32
      %mul3A_82 = arith.muli %mul3A_81, %scan3A_23 : i32
      %add3A_83 = arith.constant 0 : i32
      %add3A_84 = arith.addi %mul3A_82, %add3A_83 : i32
      %add3A_85 = arith.constant 0 : i32
      %add3A_86 = arith.addi %add3A_84, %add3A_85 : i32
      %dma_start3A_87 = arith.constant 2 : i32
      %dma_start3A_88 = arith.constant 0 : i32
      %dma_start3A_89 = tpu.memref_slice %arg6[%add3A_86, %dma_start3A_87, %dma_start3A_88] : memref<64x8x64xf32, #tpu.memory_space<vmem>> -> memref<1x1x64xf32, #tpu.memory_space<vmem>>
      %dma_start3A_90 = tpu.memref_squeeze %dma_start3A_89 : memref<1x1x64xf32, #tpu.memory_space<vmem>> -> memref<64xf32, #tpu.memory_space<vmem>>
      %dma_start3A_91 = arith.constant 0 : i32
      %dma_start3A_92 = tpu.memref_slice %arg2[%shift_right_arithmetic3A_78, %and3A_80, %dma_start3A_91] : memref<125000x8x64xf32, #tpu.memory_space<hbm>> -> memref<1x1x64xf32, #tpu.memory_space<hbm>>
      %dma_start3A_93 = tpu.memref_squeeze %dma_start3A_92 : memref<1x1x64xf32, #tpu.memory_space<hbm>> -> memref<64xf32, #tpu.memory_space<hbm>>
      %dma_start3A_94 = arith.constant 0 : i32
      %dma_start3A_95 = tpu.memref_slice %arg6[%add3A_86, %dma_start3A_87, %dma_start3A_94] : memref<64x8x64xf32, #tpu.memory_space<vmem>> -> memref<1x1x64xf32, #tpu.memory_space<vmem>>
      %dma_start3A_96 = tpu.memref_squeeze %dma_start3A_95 : memref<1x1x64xf32, #tpu.memory_space<vmem>> -> memref<64xf32, #tpu.memory_space<vmem>>
      %dma_start3A_97 = arith.constant 0 : i32
      %dma_start3A_98 = tpu.memref_slice %arg2[%shift_right_arithmetic3A_78, %and3A_80, %dma_start3A_97] : memref<125000x8x64xf32, #tpu.memory_space<hbm>> -> memref<1x1x64xf32, #tpu.memory_space<hbm>>
      %dma_start3A_99 = tpu.memref_squeeze %dma_start3A_98 : memref<1x1x64xf32, #tpu.memory_space<hbm>> -> memref<64xf32, #tpu.memory_space<hbm>>
      tpu.enqueue_dma source(%dma_start3A_99 : memref<64xf32, #tpu.memory_space<hbm>>) target(%dma_start3A_96 : memref<64xf32, #tpu.memory_space<vmem>>) target_semaphore(%arg7 : memref<!tpu.dma_semaphore, #tpu.memory_space<semaphore_mem>>)
      %slice3A_100 = vector.extract_strided_slice %get3A_29 {offsets = [3], sizes = [1], strides = [1]} : vector<16xi32> to vector<1xi32>
      %squeeze3A_101 = vector.extract %slice3A_100[0] : i32 from vector<1xi32>
      %shift_right_arithmetic3A_102 = arith.constant 3 : i32
      %shift_right_arithmetic3A_103 = arith.shrsi %squeeze3A_101, %shift_right_arithmetic3A_102 : i32
      %and3A_104 = arith.constant 7 : i32
      %and3A_105 = arith.andi %squeeze3A_101, %and3A_104 : i32
      %mul3A_106 = arith.constant 4 : i32
      %mul3A_107 = arith.muli %mul3A_106, %scan3A_23 : i32
      %add3A_108 = arith.constant 0 : i32
      %add3A_109 = arith.addi %mul3A_107, %add3A_108 : i32
      %add3A_110 = arith.constant 0 : i32
      %add3A_111 = arith.addi %add3A_109, %add3A_110 : i32
      %dma_start3A_112 = arith.constant 3 : i32
      %dma_start3A_113 = arith.constant 0 : i32
      %dma_start3A_114 = tpu.memref_slice %arg6[%add3A_111, %dma_start3A_112, %dma_start3A_113] : memref<64x8x64xf32, #tpu.memory_space<vmem>> -> memref<1x1x64xf32, #tpu.memory_space<vmem>>
      %dma_start3A_115 = tpu.memref_squeeze %dma_start3A_114 : memref<1x1x64xf32, #tpu.memory_space<vmem>> -> memref<64xf32, #tpu.memory_space<vmem>>
      %dma_start3A_116 = arith.constant 0 : i32
      %dma_start3A_117 = tpu.memref_slice %arg2[%shift_right_arithmetic3A_103, %and3A_105, %dma_start3A_116] : memref<125000x8x64xf32, #tpu.memory_space<hbm>> -> memref<1x1x64xf32, #tpu.memory_space<hbm>>
      %dma_start3A_118 = tpu.memref_squeeze %dma_start3A_117 : memref<1x1x64xf32, #tpu.memory_space<hbm>> -> memref<64xf32, #tpu.memory_space<hbm>>
      %dma_start3A_119 = arith.constant 0 : i32
      %dma_start3A_120 = tpu.memref_slice %arg6[%add3A_111, %dma_start3A_112, %dma_start3A_119] : memref<64x8x64xf32, #tpu.memory_space<vmem>> -> memref<1x1x64xf32, #tpu.memory_space<vmem>>
      %dma_start3A_121 = tpu.memref_squeeze %dma_start3A_120 : memref<1x1x64xf32, #tpu.memory_space<vmem>> -> memref<64xf32, #tpu.memory_space<vmem>>
      %dma_start3A_122 = arith.constant 0 : i32
      %dma_start3A_123 = tpu.memref_slice %arg2[%shift_right_arithmetic3A_103, %and3A_105, %dma_start3A_122] : memref<125000x8x64xf32, #tpu.memory_space<hbm>> -> memref<1x1x64xf32, #tpu.memory_space<hbm>>
      %dma_start3A_124 = tpu.memref_squeeze %dma_start3A_123 : memref<1x1x64xf32, #tpu.memory_space<hbm>> -> memref<64xf32, #tpu.memory_space<hbm>>
      tpu.enqueue_dma source(%dma_start3A_124 : memref<64xf32, #tpu.memory_space<hbm>>) target(%dma_start3A_121 : memref<64xf32, #tpu.memory_space<vmem>>) target_semaphore(%arg7 : memref<!tpu.dma_semaphore, #tpu.memory_space<semaphore_mem>>)
      %slice3A_125 = vector.extract_strided_slice %get3A_29 {offsets = [4], sizes = [1], strides = [1]} : vector<16xi32> to vector<1xi32>
      %squeeze3A_126 = vector.extract %slice3A_125[0] : i32 from vector<1xi32>
      %shift_right_arithmetic3A_127 = arith.constant 3 : i32
      %shift_right_arithmetic3A_128 = arith.shrsi %squeeze3A_126, %shift_right_arithmetic3A_127 : i32
      %and3A_129 = arith.constant 7 : i32
      %and3A_130 = arith.andi %squeeze3A_126, %and3A_129 : i32
      %mul3A_131 = arith.constant 4 : i32
      %mul3A_132 = arith.muli %mul3A_131, %scan3A_23 : i32
      %add3A_133 = arith.constant 0 : i32
      %add3A_134 = arith.addi %mul3A_132, %add3A_133 : i32
      %add3A_135 = arith.constant 0 : i32
      %add3A_136 = arith.addi %add3A_134, %add3A_135 : i32
      %dma_start3A_137 = arith.constant 4 : i32
      %dma_start3A_138 = arith.constant 0 : i32
      %dma_start3A_139 = tpu.memref_slice %arg6[%add3A_136, %dma_start3A_137, %dma_start3A_138] : memref<64x8x64xf32, #tpu.memory_space<vmem>> -> memref<1x1x64xf32, #tpu.memory_space<vmem>>
      %dma_start3A_140 = tpu.memref_squeeze %dma_start3A_139 : memref<1x1x64xf32, #tpu.memory_space<vmem>> -> memref<64xf32, #tpu.memory_space<vmem>>
      %dma_start3A_141 = arith.constant 0 : i32
      %dma_start3A_142 = tpu.memref_slice %arg2[%shift_right_arithmetic3A_128, %and3A_130, %dma_start3A_141] : memref<125000x8x64xf32, #tpu.memory_space<hbm>> -> memref<1x1x64xf32, #tpu.memory_space<hbm>>
      %dma_start3A_143 = tpu.memref_squeeze %dma_start3A_142 : memref<1x1x64xf32, #tpu.memory_space<hbm>> -> memref<64xf32, #tpu.memory_space<hbm>>
      %dma_start3A_144 = arith.constant 0 : i32
      %dma_start3A_145 = tpu.memref_slice %arg6[%add3A_136, %dma_start3A_137, %dma_start3A_144] : memref<64x8x64xf32, #tpu.memory_space<vmem>> -> memref<1x1x64xf32, #tpu.memory_space<vmem>>
      %dma_start3A_146 = tpu.memref_squeeze %dma_start3A_145 : memref<1x1x64xf32, #tpu.memory_space<vmem>> -> memref<64xf32, #tpu.memory_space<vmem>>
      %dma_start3A_147 = arith.constant 0 : i32
      %dma_start3A_148 = tpu.memref_slice %arg2[%shift_right_arithmetic3A_128, %and3A_130, %dma_start3A_147] : memref<125000x8x64xf32, #tpu.memory_space<hbm>> -> memref<1x1x64xf32, #tpu.memory_space<hbm>>
      %dma_start3A_149 = tpu.memref_squeeze %dma_start3A_148 : memref<1x1x64xf32, #tpu.memory_space<hbm>> -> memref<64xf32, #tpu.memory_space<hbm>>
      tpu.enqueue_dma source(%dma_start3A_149 : memref<64xf32, #tpu.memory_space<hbm>>) target(%dma_start3A_146 : memref<64xf32, #tpu.memory_space<vmem>>) target_semaphore(%arg7 : memref<!tpu.dma_semaphore, #tpu.memory_space<semaphore_mem>>)
      %slice3A_150 = vector.extract_strided_slice %get3A_29 {offsets = [5], sizes = [1], strides = [1]} : vector<16xi32> to vector<1xi32>
      %squeeze3A_151 = vector.extract %slice3A_150[0] : i32 from vector<1xi32>
      %shift_right_arithmetic3A_152 = arith.constant 3 : i32
      %shift_right_arithmetic3A_153 = arith.shrsi %squeeze3A_151, %shift_right_arithmetic3A_152 : i32
      %and3A_154 = arith.constant 7 : i32
      %and3A_155 = arith.andi %squeeze3A_151, %and3A_154 : i32
      %mul3A_156 = arith.constant 4 : i32
      %mul3A_157 = arith.muli %mul3A_156, %scan3A_23 : i32
      %add3A_158 = arith.constant 0 : i32
      %add3A_159 = arith.addi %mul3A_157, %add3A_158 : i32
      %add3A_160 = arith.constant 0 : i32
      %add3A_161 = arith.addi %add3A_159, %add3A_160 : i32
      %dma_start3A_162 = arith.constant 5 : i32
      %dma_start3A_163 = arith.constant 0 : i32
      %dma_start3A_164 = tpu.memref_slice %arg6[%add3A_161, %dma_start3A_162, %dma_start3A_163] : memref<64x8x64xf32, #tpu.memory_space<vmem>> -> memref<1x1x64xf32, #tpu.memory_space<vmem>>
      %dma_start3A_165 = tpu.memref_squeeze %dma_start3A_164 : memref<1x1x64xf32, #tpu.memory_space<vmem>> -> memref<64xf32, #tpu.memory_space<vmem>>
      %dma_start3A_166 = arith.constant 0 : i32
      %dma_start3A_167 = tpu.memref_slice %arg2[%shift_right_arithmetic3A_153, %and3A_155, %dma_start3A_166] : memref<125000x8x64xf32, #tpu.memory_space<hbm>> -> memref<1x1x64xf32, #tpu.memory_space<hbm>>
      %dma_start3A_168 = tpu.memref_squeeze %dma_start3A_167 : memref<1x1x64xf32, #tpu.memory_space<hbm>> -> memref<64xf32, #tpu.memory_space<hbm>>
      %dma_start3A_169 = arith.constant 0 : i32
      %dma_start3A_170 = tpu.memref_slice %arg6[%add3A_161, %dma_start3A_162, %dma_start3A_169] : memref<64x8x64xf32, #tpu.memory_space<vmem>> -> memref<1x1x64xf32, #tpu.memory_space<vmem>>
      %dma_start3A_171 = tpu.memref_squeeze %dma_start3A_170 : memref<1x1x64xf32, #tpu.memory_space<vmem>> -> memref<64xf32, #tpu.memory_space<vmem>>
      %dma_start3A_172 = arith.constant 0 : i32
      %dma_start3A_173 = tpu.memref_slice %arg2[%shift_right_arithmetic3A_153, %and3A_155, %dma_start3A_172] : memref<125000x8x64xf32, #tpu.memory_space<hbm>> -> memref<1x1x64xf32, #tpu.memory_space<hbm>>
      %dma_start3A_174 = tpu.memref_squeeze %dma_start3A_173 : memref<1x1x64xf32, #tpu.memory_space<hbm>> -> memref<64xf32, #tpu.memory_space<hbm>>
      tpu.enqueue_dma source(%dma_start3A_174 : memref<64xf32, #tpu.memory_space<hbm>>) target(%dma_start3A_171 : memref<64xf32, #tpu.memory_space<vmem>>) target_semaphore(%arg7 : memref<!tpu.dma_semaphore, #tpu.memory_space<semaphore_mem>>)
      %slice3A_175 = vector.extract_strided_slice %get3A_29 {offsets = [6], sizes = [1], strides = [1]} : vector<16xi32> to vector<1xi32>
      %squeeze3A_176 = vector.extract %slice3A_175[0] : i32 from vector<1xi32>
      %shift_right_arithmetic3A_177 = arith.constant 3 : i32
      %shift_right_arithmetic3A_178 = arith.shrsi %squeeze3A_176, %shift_right_arithmetic3A_177 : i32
      %and3A_179 = arith.constant 7 : i32
      %and3A_180 = arith.andi %squeeze3A_176, %and3A_179 : i32
      %mul3A_181 = arith.constant 4 : i32
      %mul3A_182 = arith.muli %mul3A_181, %scan3A_23 : i32
      %add3A_183 = arith.constant 0 : i32
      %add3A_184 = arith.addi %mul3A_182, %add3A_183 : i32
      %add3A_185 = arith.constant 0 : i32
      %add3A_186 = arith.addi %add3A_184, %add3A_185 : i32
      %dma_start3A_187 = arith.constant 6 : i32
      %dma_start3A_188 = arith.constant 0 : i32
      %dma_start3A_189 = tpu.memref_slice %arg6[%add3A_186, %dma_start3A_187, %dma_start3A_188] : memref<64x8x64xf32, #tpu.memory_space<vmem>> -> memref<1x1x64xf32, #tpu.memory_space<vmem>>
      %dma_start3A_190 = tpu.memref_squeeze %dma_start3A_189 : memref<1x1x64xf32, #tpu.memory_space<vmem>> -> memref<64xf32, #tpu.memory_space<vmem>>
      %dma_start3A_191 = arith.constant 0 : i32
      %dma_start3A_192 = tpu.memref_slice %arg2[%shift_right_arithmetic3A_178, %and3A_180, %dma_start3A_191] : memref<125000x8x64xf32, #tpu.memory_space<hbm>> -> memref<1x1x64xf32, #tpu.memory_space<hbm>>
      %dma_start3A_193 = tpu.memref_squeeze %dma_start3A_192 : memref<1x1x64xf32, #tpu.memory_space<hbm>> -> memref<64xf32, #tpu.memory_space<hbm>>
      %dma_start3A_194 = arith.constant 0 : i32
      %dma_start3A_195 = tpu.memref_slice %arg6[%add3A_186, %dma_start3A_187, %dma_start3A_194] : memref<64x8x64xf32, #tpu.memory_space<vmem>> -> memref<1x1x64xf32, #tpu.memory_space<vmem>>
      %dma_start3A_196 = tpu.memref_squeeze %dma_start3A_195 : memref<1x1x64xf32, #tpu.memory_space<vmem>> -> memref<64xf32, #tpu.memory_space<vmem>>
      %dma_start3A_197 = arith.constant 0 : i32
      %dma_start3A_198 = tpu.memref_slice %arg2[%shift_right_arithmetic3A_178, %and3A_180, %dma_start3A_197] : memref<125000x8x64xf32, #tpu.memory_space<hbm>> -> memref<1x1x64xf32, #tpu.memory_space<hbm>>
      %dma_start3A_199 = tpu.memref_squeeze %dma_start3A_198 : memref<1x1x64xf32, #tpu.memory_space<hbm>> -> memref<64xf32, #tpu.memory_space<hbm>>
      tpu.enqueue_dma source(%dma_start3A_199 : memref<64xf32, #tpu.memory_space<hbm>>) target(%dma_start3A_196 : memref<64xf32, #tpu.memory_space<vmem>>) target_semaphore(%arg7 : memref<!tpu.dma_semaphore, #tpu.memory_space<semaphore_mem>>)
      %slice3A_200 = vector.extract_strided_slice %get3A_29 {offsets = [7], sizes = [1], strides = [1]} : vector<16xi32> to vector<1xi32>
      %squeeze3A_201 = vector.extract %slice3A_200[0] : i32 from vector<1xi32>
      %shift_right_arithmetic3A_202 = arith.constant 3 : i32
      %shift_right_arithmetic3A_203 = arith.shrsi %squeeze3A_201, %shift_right_arithmetic3A_202 : i32
      %and3A_204 = arith.constant 7 : i32
      %and3A_205 = arith.andi %squeeze3A_201, %and3A_204 : i32
      %mul3A_206 = arith.constant 4 : i32
      %mul3A_207 = arith.muli %mul3A_206, %scan3A_23 : i32
      %add3A_208 = arith.constant 0 : i32
      %add3A_209 = arith.addi %mul3A_207, %add3A_208 : i32
      %add3A_210 = arith.constant 0 : i32
      %add3A_211 = arith.addi %add3A_209, %add3A_210 : i32
      %dma_start3A_212 = arith.constant 7 : i32
      %dma_start3A_213 = arith.constant 0 : i32
      %dma_start3A_214 = tpu.memref_slice %arg6[%add3A_211, %dma_start3A_212, %dma_start3A_213] : memref<64x8x64xf32, #tpu.memory_space<vmem>> -> memref<1x1x64xf32, #tpu.memory_space<vmem>>
      %dma_start3A_215 = tpu.memref_squeeze %dma_start3A_214 : memref<1x1x64xf32, #tpu.memory_space<vmem>> -> memref<64xf32, #tpu.memory_space<vmem>>
      %dma_start3A_216 = arith.constant 0 : i32
      %dma_start3A_217 = tpu.memref_slice %arg2[%shift_right_arithmetic3A_203, %and3A_205, %dma_start3A_216] : memref<125000x8x64xf32, #tpu.memory_space<hbm>> -> memref<1x1x64xf32, #tpu.memory_space<hbm>>
      %dma_start3A_218 = tpu.memref_squeeze %dma_start3A_217 : memref<1x1x64xf32, #tpu.memory_space<hbm>> -> memref<64xf32, #tpu.memory_space<hbm>>
      %dma_start3A_219 = arith.constant 0 : i32
      %dma_start3A_220 = tpu.memref_slice %arg6[%add3A_211, %dma_start3A_212, %dma_start3A_219] : memref<64x8x64xf32, #tpu.memory_space<vmem>> -> memref<1x1x64xf32, #tpu.memory_space<vmem>>
      %dma_start3A_221 = tpu.memref_squeeze %dma_start3A_220 : memref<1x1x64xf32, #tpu.memory_space<vmem>> -> memref<64xf32, #tpu.memory_space<vmem>>
      %dma_start3A_222 = arith.constant 0 : i32
      %dma_start3A_223 = tpu.memref_slice %arg2[%shift_right_arithmetic3A_203, %and3A_205, %dma_start3A_222] : memref<125000x8x64xf32, #tpu.memory_space<hbm>> -> memref<1x1x64xf32, #tpu.memory_space<hbm>>
      %dma_start3A_224 = tpu.memref_squeeze %dma_start3A_223 : memref<1x1x64xf32, #tpu.memory_space<hbm>> -> memref<64xf32, #tpu.memory_space<hbm>>
      tpu.enqueue_dma source(%dma_start3A_224 : memref<64xf32, #tpu.memory_space<hbm>>) target(%dma_start3A_221 : memref<64xf32, #tpu.memory_space<vmem>>) target_semaphore(%arg7 : memref<!tpu.dma_semaphore, #tpu.memory_space<semaphore_mem>>)
      %slice3A_225 = vector.extract_strided_slice %get3A_29 {offsets = [8], sizes = [1], strides = [1]} : vector<16xi32> to vector<1xi32>
      %squeeze3A_226 = vector.extract %slice3A_225[0] : i32 from vector<1xi32>
      %shift_right_arithmetic3A_227 = arith.constant 3 : i32
      %shift_right_arithmetic3A_228 = arith.shrsi %squeeze3A_226, %shift_right_arithmetic3A_227 : i32
      %and3A_229 = arith.constant 7 : i32
      %and3A_230 = arith.andi %squeeze3A_226, %and3A_229 : i32
      %mul3A_231 = arith.constant 4 : i32
      %mul3A_232 = arith.muli %mul3A_231, %scan3A_23 : i32
      %add3A_233 = arith.constant 0 : i32
      %add3A_234 = arith.addi %mul3A_232, %add3A_233 : i32
      %add3A_235 = arith.constant 1 : i32
      %add3A_236 = arith.addi %add3A_234, %add3A_235 : i32
      %dma_start3A_237 = arith.constant 0 : i32
      %dma_start3A_238 = arith.constant 0 : i32
      %dma_start3A_239 = tpu.memref_slice %arg6[%add3A_236, %dma_start3A_237, %dma_start3A_238] : memref<64x8x64xf32, #tpu.memory_space<vmem>> -> memref<1x1x64xf32, #tpu.memory_space<vmem>>
      %dma_start3A_240 = tpu.memref_squeeze %dma_start3A_239 : memref<1x1x64xf32, #tpu.memory_space<vmem>> -> memref<64xf32, #tpu.memory_space<vmem>>
      %dma_start3A_241 = arith.constant 0 : i32
      %dma_start3A_242 = tpu.memref_slice %arg2[%shift_right_arithmetic3A_228, %and3A_230, %dma_start3A_241] : memref<125000x8x64xf32, #tpu.memory_space<hbm>> -> memref<1x1x64xf32, #tpu.memory_space<hbm>>
      %dma_start3A_243 = tpu.memref_squeeze %dma_start3A_242 : memref<1x1x64xf32, #tpu.memory_space<hbm>> -> memref<64xf32, #tpu.memory_space<hbm>>
      %dma_start3A_244 = arith.constant 0 : i32
      %dma_start3A_245 = tpu.memref_slice %arg6[%add3A_236, %dma_start3A_237, %dma_start3A_244] : memref<64x8x64xf32, #tpu.memory_space<vmem>> -> memref<1x1x64xf32, #tpu.memory_space<vmem>>
      %dma_start3A_246 = tpu.memref_squeeze %dma_start3A_245 : memref<1x1x64xf32, #tpu.memory_space<vmem>> -> memref<64xf32, #tpu.memory_space<vmem>>
      %dma_start3A_247 = arith.constant 0 : i32
      %dma_start3A_248 = tpu.memref_slice %arg2[%shift_right_arithmetic3A_228, %and3A_230, %dma_start3A_247] : memref<125000x8x64xf32, #tpu.memory_space<hbm>> -> memref<1x1x64xf32, #tpu.memory_space<hbm>>
      %dma_start3A_249 = tpu.memref_squeeze %dma_start3A_248 : memref<1x1x64xf32, #tpu.memory_space<hbm>> -> memref<64xf32, #tpu.memory_space<hbm>>
      tpu.enqueue_dma source(%dma_start3A_249 : memref<64xf32, #tpu.memory_space<hbm>>) target(%dma_start3A_246 : memref<64xf32, #tpu.memory_space<vmem>>) target_semaphore(%arg7 : memref<!tpu.dma_semaphore, #tpu.memory_space<semaphore_mem>>)
      %slice3A_250 = vector.extract_strided_slice %get3A_29 {offsets = [9], sizes = [1], strides = [1]} : vector<16xi32> to vector<1xi32>
      %squeeze3A_251 = vector.extract %slice3A_250[0] : i32 from vector<1xi32>
      %shift_right_arithmetic3A_252 = arith.constant 3 : i32
      %shift_right_arithmetic3A_253 = arith.shrsi %squeeze3A_251, %shift_right_arithmetic3A_252 : i32
      %and3A_254 = arith.constant 7 : i32
      %and3A_255 = arith.andi %squeeze3A_251, %and3A_254 : i32
      %mul3A_256 = arith.constant 4 : i32
      %mul3A_257 = arith.muli %mul3A_256, %scan3A_23 : i32
      %add3A_258 = arith.constant 0 : i32
      %add3A_259 = arith.addi %mul3A_257, %add3A_258 : i32
      %add3A_260 = arith.constant 1 : i32
      %add3A_261 = arith.addi %add3A_259, %add3A_260 : i32
      %dma_start3A_262 = arith.constant 1 : i32
      %dma_start3A_263 = arith.constant 0 : i32
      %dma_start3A_264 = tpu.memref_slice %arg6[%add3A_261, %dma_start3A_262, %dma_start3A_263] : memref<64x8x64xf32, #tpu.memory_space<vmem>> -> memref<1x1x64xf32, #tpu.memory_space<vmem>>
      %dma_start3A_265 = tpu.memref_squeeze %dma_start3A_264 : memref<1x1x64xf32, #tpu.memory_space<vmem>> -> memref<64xf32, #tpu.memory_space<vmem>>
      %dma_start3A_266 = arith.constant 0 : i32
      %dma_start3A_267 = tpu.memref_slice %arg2[%shift_right_arithmetic3A_253, %and3A_255, %dma_start3A_266] : memref<125000x8x64xf32, #tpu.memory_space<hbm>> -> memref<1x1x64xf32, #tpu.memory_space<hbm>>
      %dma_start3A_268 = tpu.memref_squeeze %dma_start3A_267 : memref<1x1x64xf32, #tpu.memory_space<hbm>> -> memref<64xf32, #tpu.memory_space<hbm>>
      %dma_start3A_269 = arith.constant 0 : i32
      %dma_start3A_270 = tpu.memref_slice %arg6[%add3A_261, %dma_start3A_262, %dma_start3A_269] : memref<64x8x64xf32, #tpu.memory_space<vmem>> -> memref<1x1x64xf32, #tpu.memory_space<vmem>>
      %dma_start3A_271 = tpu.memref_squeeze %dma_start3A_270 : memref<1x1x64xf32, #tpu.memory_space<vmem>> -> memref<64xf32, #tpu.memory_space<vmem>>
      %dma_start3A_272 = arith.constant 0 : i32
      %dma_start3A_273 = tpu.memref_slice %arg2[%shift_right_arithmetic3A_253, %and3A_255, %dma_start3A_272] : memref<125000x8x64xf32, #tpu.memory_space<hbm>> -> memref<1x1x64xf32, #tpu.memory_space<hbm>>
      %dma_start3A_274 = tpu.memref_squeeze %dma_start3A_273 : memref<1x1x64xf32, #tpu.memory_space<hbm>> -> memref<64xf32, #tpu.memory_space<hbm>>
      tpu.enqueue_dma source(%dma_start3A_274 : memref<64xf32, #tpu.memory_space<hbm>>) target(%dma_start3A_271 : memref<64xf32, #tpu.memory_space<vmem>>) target_semaphore(%arg7 : memref<!tpu.dma_semaphore, #tpu.memory_space<semaphore_mem>>)
      %slice3A_275 = vector.extract_strided_slice %get3A_29 {offsets = [10], sizes = [1], strides = [1]} : vector<16xi32> to vector<1xi32>
      %squeeze3A_276 = vector.extract %slice3A_275[0] : i32 from vector<1xi32>
      %shift_right_arithmetic3A_277 = arith.constant 3 : i32
      %shift_right_arithmetic3A_278 = arith.shrsi %squeeze3A_276, %shift_right_arithmetic3A_277 : i32
      %and3A_279 = arith.constant 7 : i32
      %and3A_280 = arith.andi %squeeze3A_276, %and3A_279 : i32
      %mul3A_281 = arith.constant 4 : i32
      %mul3A_282 = arith.muli %mul3A_281, %scan3A_23 : i32
      %add3A_283 = arith.constant 0 : i32
      %add3A_284 = arith.addi %mul3A_282, %add3A_283 : i32
      %add3A_285 = arith.constant 1 : i32
      %add3A_286 = arith.addi %add3A_284, %add3A_285 : i32
      %dma_start3A_287 = arith.constant 2 : i32
      %dma_start3A_288 = arith.constant 0 : i32
      %dma_start3A_289 = tpu.memref_slice %arg6[%add3A_286, %dma_start3A_287, %dma_start3A_288] : memref<64x8x64xf32, #tpu.memory_space<vmem>> -> memref<1x1x64xf32, #tpu.memory_space<vmem>>
      %dma_start3A_290 = tpu.memref_squeeze %dma_start3A_289 : memref<1x1x64xf32, #tpu.memory_space<vmem>> -> memref<64xf32, #tpu.memory_space<vmem>>
      %dma_start3A_291 = arith.constant 0 : i32
      %dma_start3A_292 = tpu.memref_slice %arg2[%shift_right_arithmetic3A_278, %and3A_280, %dma_start3A_291] : memref<125000x8x64xf32, #tpu.memory_space<hbm>> -> memref<1x1x64xf32, #tpu.memory_space<hbm>>
      %dma_start3A_293 = tpu.memref_squeeze %dma_start3A_292 : memref<1x1x64xf32, #tpu.memory_space<hbm>> -> memref<64xf32, #tpu.memory_space<hbm>>
      %dma_start3A_294 = arith.constant 0 : i32
      %dma_start3A_295 = tpu.memref_slice %arg6[%add3A_286, %dma_start3A_287, %dma_start3A_294] : memref<64x8x64xf32, #tpu.memory_space<vmem>> -> memref<1x1x64xf32, #tpu.memory_space<vmem>>
      %dma_start3A_296 = tpu.memref_squeeze %dma_start3A_295 : memref<1x1x64xf32, #tpu.memory_space<vmem>> -> memref<64xf32, #tpu.memory_space<vmem>>
      %dma_start3A_297 = arith.constant 0 : i32
      %dma_start3A_298 = tpu.memref_slice %arg2[%shift_right_arithmetic3A_278, %and3A_280, %dma_start3A_297] : memref<125000x8x64xf32, #tpu.memory_space<hbm>> -> memref<1x1x64xf32, #tpu.memory_space<hbm>>
      %dma_start3A_299 = tpu.memref_squeeze %dma_start3A_298 : memref<1x1x64xf32, #tpu.memory_space<hbm>> -> memref<64xf32, #tpu.memory_space<hbm>>
      tpu.enqueue_dma source(%dma_start3A_299 : memref<64xf32, #tpu.memory_space<hbm>>) target(%dma_start3A_296 : memref<64xf32, #tpu.memory_space<vmem>>) target_semaphore(%arg7 : memref<!tpu.dma_semaphore, #tpu.memory_space<semaphore_mem>>)
      %slice3A_300 = vector.extract_strided_slice %get3A_29 {offsets = [11], sizes = [1], strides = [1]} : vector<16xi32> to vector<1xi32>
      %squeeze3A_301 = vector.extract %slice3A_300[0] : i32 from vector<1xi32>
      %shift_right_arithmetic3A_302 = arith.constant 3 : i32
      %shift_right_arithmetic3A_303 = arith.shrsi %squeeze3A_301, %shift_right_arithmetic3A_302 : i32
      %and3A_304 = arith.constant 7 : i32
      %and3A_305 = arith.andi %squeeze3A_301, %and3A_304 : i32
      %mul3A_306 = arith.constant 4 : i32
      %mul3A_307 = arith.muli %mul3A_306, %scan3A_23 : i32
      %add3A_308 = arith.constant 0 : i32
      %add3A_309 = arith.addi %mul3A_307, %add3A_308 : i32
      %add3A_310 = arith.constant 1 : i32
      %add3A_311 = arith.addi %add3A_309, %add3A_310 : i32
      %dma_start3A_312 = arith.constant 3 : i32
      %dma_start3A_313 = arith.constant 0 : i32
      %dma_start3A_314 = tpu.memref_slice %arg6[%add3A_311, %dma_start3A_312, %dma_start3A_313] : memref<64x8x64xf32, #tpu.memory_space<vmem>> -> memref<1x1x64xf32, #tpu.memory_space<vmem>>
      %dma_start3A_315 = tpu.memref_squeeze %dma_start3A_314 : memref<1x1x64xf32, #tpu.memory_space<vmem>> -> memref<64xf32, #tpu.memory_space<vmem>>
      %dma_start3A_316 = arith.constant 0 : i32
      %dma_start3A_317 = tpu.memref_slice %arg2[%shift_right_arithmetic3A_303, %and3A_305, %dma_start3A_316] : memref<125000x8x64xf32, #tpu.memory_space<hbm>> -> memref<1x1x64xf32, #tpu.memory_space<hbm>>
      %dma_start3A_318 = tpu.memref_squeeze %dma_start3A_317 : memref<1x1x64xf32, #tpu.memory_space<hbm>> -> memref<64xf32, #tpu.memory_space<hbm>>
      %dma_start3A_319 = arith.constant 0 : i32
      %dma_start3A_320 = tpu.memref_slice %arg6[%add3A_311, %dma_start3A_312, %dma_start3A_319] : memref<64x8x64xf32, #tpu.memory_space<vmem>> -> memref<1x1x64xf32, #tpu.memory_space<vmem>>
      %dma_start3A_321 = tpu.memref_squeeze %dma_start3A_320 : memref<1x1x64xf32, #tpu.memory_space<vmem>> -> memref<64xf32, #tpu.memory_space<vmem>>
      %dma_start3A_322 = arith.constant 0 : i32
      %dma_start3A_323 = tpu.memref_slice %arg2[%shift_right_arithmetic3A_303, %and3A_305, %dma_start3A_322] : memref<125000x8x64xf32, #tpu.memory_space<hbm>> -> memref<1x1x64xf32, #tpu.memory_space<hbm>>
      %dma_start3A_324 = tpu.memref_squeeze %dma_start3A_323 : memref<1x1x64xf32, #tpu.memory_space<hbm>> -> memref<64xf32, #tpu.memory_space<hbm>>
      tpu.enqueue_dma source(%dma_start3A_324 : memref<64xf32, #tpu.memory_space<hbm>>) target(%dma_start3A_321 : memref<64xf32, #tpu.memory_space<vmem>>) target_semaphore(%arg7 : memref<!tpu.dma_semaphore, #tpu.memory_space<semaphore_mem>>)
      %slice3A_325 = vector.extract_strided_slice %get3A_29 {offsets = [12], sizes = [1], strides = [1]} : vector<16xi32> to vector<1xi32>
      %squeeze3A_326 = vector.extract %slice3A_325[0] : i32 from vector<1xi32>
      %shift_right_arithmetic3A_327 = arith.constant 3 : i32
      %shift_right_arithmetic3A_328 = arith.shrsi %squeeze3A_326, %shift_right_arithmetic3A_327 : i32
      %and3A_329 = arith.constant 7 : i32
      %and3A_330 = arith.andi %squeeze3A_326, %and3A_329 : i32
      %mul3A_331 = arith.constant 4 : i32
      %mul3A_332 = arith.muli %mul3A_331, %scan3A_23 : i32
      %add3A_333 = arith.constant 0 : i32
      %add3A_334 = arith.addi %mul3A_332, %add3A_333 : i32
      %add3A_335 = arith.constant 1 : i32
      %add3A_336 = arith.addi %add3A_334, %add3A_335 : i32
      %dma_start3A_337 = arith.constant 4 : i32
      %dma_start3A_338 = arith.constant 0 : i32
      %dma_start3A_339 = tpu.memref_slice %arg6[%add3A_336, %dma_start3A_337, %dma_start3A_338] : memref<64x8x64xf32, #tpu.memory_space<vmem>> -> memref<1x1x64xf32, #tpu.memory_space<vmem>>
      %dma_start3A_340 = tpu.memref_squeeze %dma_start3A_339 : memref<1x1x64xf32, #tpu.memory_space<vmem>> -> memref<64xf32, #tpu.memory_space<vmem>>
      %dma_start3A_341 = arith.constant 0 : i32
      %dma_start3A_342 = tpu.memref_slice %arg2[%shift_right_arithmetic3A_328, %and3A_330, %dma_start3A_341] : memref<125000x8x64xf32, #tpu.memory_space<hbm>> -> memref<1x1x64xf32, #tpu.memory_space<hbm>>
      %dma_start3A_343 = tpu.memref_squeeze %dma_start3A_342 : memref<1x1x64xf32, #tpu.memory_space<hbm>> -> memref<64xf32, #tpu.memory_space<hbm>>
      %dma_start3A_344 = arith.constant 0 : i32
      %dma_start3A_345 = tpu.memref_slice %arg6[%add3A_336, %dma_start3A_337, %dma_start3A_344] : memref<64x8x64xf32, #tpu.memory_space<vmem>> -> memref<1x1x64xf32, #tpu.memory_space<vmem>>
      %dma_start3A_346 = tpu.memref_squeeze %dma_start3A_345 : memref<1x1x64xf32, #tpu.memory_space<vmem>> -> memref<64xf32, #tpu.memory_space<vmem>>
      %dma_start3A_347 = arith.constant 0 : i32
      %dma_start3A_348 = tpu.memref_slice %arg2[%shift_right_arithmetic3A_328, %and3A_330, %dma_start3A_347] : memref<125000x8x64xf32, #tpu.memory_space<hbm>> -> memref<1x1x64xf32, #tpu.memory_space<hbm>>
      %dma_start3A_349 = tpu.memref_squeeze %dma_start3A_348 : memref<1x1x64xf32, #tpu.memory_space<hbm>> -> memref<64xf32, #tpu.memory_space<hbm>>
      tpu.enqueue_dma source(%dma_start3A_349 : memref<64xf32, #tpu.memory_space<hbm>>) target(%dma_start3A_346 : memref<64xf32, #tpu.memory_space<vmem>>) target_semaphore(%arg7 : memref<!tpu.dma_semaphore, #tpu.memory_space<semaphore_mem>>)
      %slice3A_350 = vector.extract_strided_slice %get3A_29 {offsets = [13], sizes = [1], strides = [1]} : vector<16xi32> to vector<1xi32>
      %squeeze3A_351 = vector.extract %slice3A_350[0] : i32 from vector<1xi32>
      %shift_right_arithmetic3A_352 = arith.constant 3 : i32
      %shift_right_arithmetic3A_353 = arith.shrsi %squeeze3A_351, %shift_right_arithmetic3A_352 : i32
      %and3A_354 = arith.constant 7 : i32
      %and3A_355 = arith.andi %squeeze3A_351, %and3A_354 : i32
      %mul3A_356 = arith.constant 4 : i32
      %mul3A_357 = arith.muli %mul3A_356, %scan3A_23 : i32
      %add3A_358 = arith.constant 0 : i32
      %add3A_359 = arith.addi %mul3A_357, %add3A_358 : i32
      %add3A_360 = arith.constant 1 : i32
      %add3A_361 = arith.addi %add3A_359, %add3A_360 : i32
      %dma_start3A_362 = arith.constant 5 : i32
      %dma_start3A_363 = arith.constant 0 : i32
      %dma_start3A_364 = tpu.memref_slice %arg6[%add3A_361, %dma_start3A_362, %dma_start3A_363] : memref<64x8x64xf32, #tpu.memory_space<vmem>> -> memref<1x1x64xf32, #tpu.memory_space<vmem>>
      %dma_start3A_365 = tpu.memref_squeeze %dma_start3A_364 : memref<1x1x64xf32, #tpu.memory_space<vmem>> -> memref<64xf32, #tpu.memory_space<vmem>>
      %dma_start3A_366 = arith.constant 0 : i32
      %dma_start3A_367 = tpu.memref_slice %arg2[%shift_right_arithmetic3A_353, %and3A_355, %dma_start3A_366] : memref<125000x8x64xf32, #tpu.memory_space<hbm>> -> memref<1x1x64xf32, #tpu.memory_space<hbm>>
      %dma_start3A_368 = tpu.memref_squeeze %dma_start3A_367 : memref<1x1x64xf32, #tpu.memory_space<hbm>> -> memref<64xf32, #tpu.memory_space<hbm>>
      %dma_start3A_369 = arith.constant 0 : i32
      %dma_start3A_370 = tpu.memref_slice %arg6[%add3A_361, %dma_start3A_362, %dma_start3A_369] : memref<64x8x64xf32, #tpu.memory_space<vmem>> -> memref<1x1x64xf32, #tpu.memory_space<vmem>>
      %dma_start3A_371 = tpu.memref_squeeze %dma_start3A_370 : memref<1x1x64xf32, #tpu.memory_space<vmem>> -> memref<64xf32, #tpu.memory_space<vmem>>
      %dma_start3A_372 = arith.constant 0 : i32
      %dma_start3A_373 = tpu.memref_slice %arg2[%shift_right_arithmetic3A_353, %and3A_355, %dma_start3A_372] : memref<125000x8x64xf32, #tpu.memory_space<hbm>> -> memref<1x1x64xf32, #tpu.memory_space<hbm>>
      %dma_start3A_374 = tpu.memref_squeeze %dma_start3A_373 : memref<1x1x64xf32, #tpu.memory_space<hbm>> -> memref<64xf32, #tpu.memory_space<hbm>>
      tpu.enqueue_dma source(%dma_start3A_374 : memref<64xf32, #tpu.memory_space<hbm>>) target(%dma_start3A_371 : memref<64xf32, #tpu.memory_space<vmem>>) target_semaphore(%arg7 : memref<!tpu.dma_semaphore, #tpu.memory_space<semaphore_mem>>)
      %slice3A_375 = vector.extract_strided_slice %get3A_29 {offsets = [14], sizes = [1], strides = [1]} : vector<16xi32> to vector<1xi32>
      %squeeze3A_376 = vector.extract %slice3A_375[0] : i32 from vector<1xi32>
      %shift_right_arithmetic3A_377 = arith.constant 3 : i32
      %shift_right_arithmetic3A_378 = arith.shrsi %squeeze3A_376, %shift_right_arithmetic3A_377 : i32
      %and3A_379 = arith.constant 7 : i32
      %and3A_380 = arith.andi %squeeze3A_376, %and3A_379 : i32
      %mul3A_381 = arith.constant 4 : i32
      %mul3A_382 = arith.muli %mul3A_381, %scan3A_23 : i32
      %add3A_383 = arith.constant 0 : i32
      %add3A_384 = arith.addi %mul3A_382, %add3A_383 : i32
      %add3A_385 = arith.constant 1 : i32
      %add3A_386 = arith.addi %add3A_384, %add3A_385 : i32
      %dma_start3A_387 = arith.constant 6 : i32
      %dma_start3A_388 = arith.constant 0 : i32
      %dma_start3A_389 = tpu.memref_slice %arg6[%add3A_386, %dma_start3A_387, %dma_start3A_388] : memref<64x8x64xf32, #tpu.memory_space<vmem>> -> memref<1x1x64xf32, #tpu.memory_space<vmem>>
      %dma_start3A_390 = tpu.memref_squeeze %dma_start3A_389 : memref<1x1x64xf32, #tpu.memory_space<vmem>> -> memref<64xf32, #tpu.memory_space<vmem>>
      %dma_start3A_391 = arith.constant 0 : i32
      %dma_start3A_392 = tpu.memref_slice %arg2[%shift_right_arithmetic3A_378, %and3A_380, %dma_start3A_391] : memref<125000x8x64xf32, #tpu.memory_space<hbm>> -> memref<1x1x64xf32, #tpu.memory_space<hbm>>
      %dma_start3A_393 = tpu.memref_squeeze %dma_start3A_392 : memref<1x1x64xf32, #tpu.memory_space<hbm>> -> memref<64xf32, #tpu.memory_space<hbm>>
      %dma_start3A_394 = arith.constant 0 : i32
      %dma_start3A_395 = tpu.memref_slice %arg6[%add3A_386, %dma_start3A_387, %dma_start3A_394] : memref<64x8x64xf32, #tpu.memory_space<vmem>> -> memref<1x1x64xf32, #tpu.memory_space<vmem>>
      %dma_start3A_396 = tpu.memref_squeeze %dma_start3A_395 : memref<1x1x64xf32, #tpu.memory_space<vmem>> -> memref<64xf32, #tpu.memory_space<vmem>>
      %dma_start3A_397 = arith.constant 0 : i32
      %dma_start3A_398 = tpu.memref_slice %arg2[%shift_right_arithmetic3A_378, %and3A_380, %dma_start3A_397] : memref<125000x8x64xf32, #tpu.memory_space<hbm>> -> memref<1x1x64xf32, #tpu.memory_space<hbm>>
      %dma_start3A_399 = tpu.memref_squeeze %dma_start3A_398 : memref<1x1x64xf32, #tpu.memory_space<hbm>> -> memref<64xf32, #tpu.memory_space<hbm>>
      tpu.enqueue_dma source(%dma_start3A_399 : memref<64xf32, #tpu.memory_space<hbm>>) target(%dma_start3A_396 : memref<64xf32, #tpu.memory_space<vmem>>) target_semaphore(%arg7 : memref<!tpu.dma_semaphore, #tpu.memory_space<semaphore_mem>>)
      %slice3A_400 = vector.extract_strided_slice %get3A_29 {offsets = [15], sizes = [1], strides = [1]} : vector<16xi32> to vector<1xi32>
      %squeeze3A_401 = vector.extract %slice3A_400[0] : i32 from vector<1xi32>
      %shift_right_arithmetic3A_402 = arith.constant 3 : i32
      %shift_right_arithmetic3A_403 = arith.shrsi %squeeze3A_401, %shift_right_arithmetic3A_402 : i32
      %and3A_404 = arith.constant 7 : i32
      %and3A_405 = arith.andi %squeeze3A_401, %and3A_404 : i32
      %mul3A_406 = arith.constant 4 : i32
      %mul3A_407 = arith.muli %mul3A_406, %scan3A_23 : i32
      %add3A_408 = arith.constant 0 : i32
      %add3A_409 = arith.addi %mul3A_407, %add3A_408 : i32
      %add3A_410 = arith.constant 1 : i32
      %add3A_411 = arith.addi %add3A_409, %add3A_410 : i32
      %dma_start3A_412 = arith.constant 7 : i32
      %dma_start3A_413 = arith.constant 0 : i32
      %dma_start3A_414 = tpu.memref_slice %arg6[%add3A_411, %dma_start3A_412, %dma_start3A_413] : memref<64x8x64xf32, #tpu.memory_space<vmem>> -> memref<1x1x64xf32, #tpu.memory_space<vmem>>
      %dma_start3A_415 = tpu.memref_squeeze %dma_start3A_414 : memref<1x1x64xf32, #tpu.memory_space<vmem>> -> memref<64xf32, #tpu.memory_space<vmem>>
      %dma_start3A_416 = arith.constant 0 : i32
      %dma_start3A_417 = tpu.memref_slice %arg2[%shift_right_arithmetic3A_403, %and3A_405, %dma_start3A_416] : memref<125000x8x64xf32, #tpu.memory_space<hbm>> -> memref<1x1x64xf32, #tpu.memory_space<hbm>>
      %dma_start3A_418 = tpu.memref_squeeze %dma_start3A_417 : memref<1x1x64xf32, #tpu.memory_space<hbm>> -> memref<64xf32, #tpu.memory_space<hbm>>
      %dma_start3A_419 = arith.constant 0 : i32
      %dma_start3A_420 = tpu.memref_slice %arg6[%add3A_411, %dma_start3A_412, %dma_start3A_419] : memref<64x8x64xf32, #tpu.memory_space<vmem>> -> memref<1x1x64xf32, #tpu.memory_space<vmem>>
      %dma_start3A_421 = tpu.memref_squeeze %dma_start3A_420 : memref<1x1x64xf32, #tpu.memory_space<vmem>> -> memref<64xf32, #tpu.memory_space<vmem>>
      %dma_start3A_422 = arith.constant 0 : i32
      %dma_start3A_423 = tpu.memref_slice %arg2[%shift_right_arithmetic3A_403, %and3A_405, %dma_start3A_422] : memref<125000x8x64xf32, #tpu.memory_space<hbm>> -> memref<1x1x64xf32, #tpu.memory_space<hbm>>
      %dma_start3A_424 = tpu.memref_squeeze %dma_start3A_423 : memref<1x1x64xf32, #tpu.memory_space<hbm>> -> memref<64xf32, #tpu.memory_space<hbm>>
      tpu.enqueue_dma source(%dma_start3A_424 : memref<64xf32, #tpu.memory_space<hbm>>) target(%dma_start3A_421 : memref<64xf32, #tpu.memory_space<vmem>>) target_semaphore(%arg7 : memref<!tpu.dma_semaphore, #tpu.memory_space<semaphore_mem>>)
      %mul3A_425 = arith.constant 32 : i32
      %mul3A_426 = arith.muli %scan3A_23, %mul3A_425 : i32
      %add3A_427 = arith.constant 16 : i32
      %add3A_428 = arith.addi %mul3A_426, %add3A_427 : i32
      %get3A_429 = arith.index_cast %add3A_428 : i32 to index
      %get3A_430 = tpu.vector_load %arg5[%get3A_429] {strides = array<i32>} : memref<512xi32, #tpu.memory_space<vmem>>, vector<16xi32>,
      %get3A_431 = vector.shape_cast %get3A_430 : vector<16xi32> to vector<16xi32>
      %slice3A_432 = vector.extract_strided_slice %get3A_431 {offsets = [0], sizes = [1], strides = [1]} : vector<16xi32> to vector<1xi32>
      %squeeze3A_433 = vector.extract %slice3A_432[0] : i32 from vector<1xi32>
      %shift_right_arithmetic3A_434 = arith.constant 3 : i32
      %shift_right_arithmetic3A_435 = arith.shrsi %squeeze3A_433, %shift_right_arithmetic3A_434 : i32
      %and3A_436 = arith.constant 7 : i32
      %and3A_437 = arith.andi %squeeze3A_433, %and3A_436 : i32
      %mul3A_438 = arith.constant 4 : i32
      %mul3A_439 = arith.muli %mul3A_438, %scan3A_23 : i32
      %add3A_440 = arith.constant 2 : i32
      %add3A_441 = arith.addi %mul3A_439, %add3A_440 : i32
      %add3A_442 = arith.constant 0 : i32
      %add3A_443 = arith.addi %add3A_441, %add3A_442 : i32
      %dma_start3A_444 = arith.constant 0 : i32
      %dma_start3A_445 = arith.constant 0 : i32
      %dma_start3A_446 = tpu.memref_slice %arg6[%add3A_443, %dma_start3A_444, %dma_start3A_445] : memref<64x8x64xf32, #tpu.memory_space<vmem>> -> memref<1x1x64xf32, #tpu.memory_space<vmem>>
      %dma_start3A_447 = tpu.memref_squeeze %dma_start3A_446 : memref<1x1x64xf32, #tpu.memory_space<vmem>> -> memref<64xf32, #tpu.memory_space<vmem>>
      %dma_start3A_448 = arith.constant 0 : i32
      %dma_start3A_449 = tpu.memref_slice %arg2[%shift_right_arithmetic3A_435, %and3A_437, %dma_start3A_448] : memref<125000x8x64xf32, #tpu.memory_space<hbm>> -> memref<1x1x64xf32, #tpu.memory_space<hbm>>
      %dma_start3A_450 = tpu.memref_squeeze %dma_start3A_449 : memref<1x1x64xf32, #tpu.memory_space<hbm>> -> memref<64xf32, #tpu.memory_space<hbm>>
      %dma_start3A_451 = arith.constant 0 : i32
      %dma_start3A_452 = tpu.memref_slice %arg6[%add3A_443, %dma_start3A_444, %dma_start3A_451] : memref<64x8x64xf32, #tpu.memory_space<vmem>> -> memref<1x1x64xf32, #tpu.memory_space<vmem>>
      %dma_start3A_453 = tpu.memref_squeeze %dma_start3A_452 : memref<1x1x64xf32, #tpu.memory_space<vmem>> -> memref<64xf32, #tpu.memory_space<vmem>>
      %dma_start3A_454 = arith.constant 0 : i32
      %dma_start3A_455 = tpu.memref_slice %arg2[%shift_right_arithmetic3A_435, %and3A_437, %dma_start3A_454] : memref<125000x8x64xf32, #tpu.memory_space<hbm>> -> memref<1x1x64xf32, #tpu.memory_space<hbm>>
      %dma_start3A_456 = tpu.memref_squeeze %dma_start3A_455 : memref<1x1x64xf32, #tpu.memory_space<hbm>> -> memref<64xf32, #tpu.memory_space<hbm>>
      tpu.enqueue_dma source(%dma_start3A_456 : memref<64xf32, #tpu.memory_space<hbm>>) target(%dma_start3A_453 : memref<64xf32, #tpu.memory_space<vmem>>) target_semaphore(%arg7 : memref<!tpu.dma_semaphore, #tpu.memory_space<semaphore_mem>>)
      %slice3A_457 = vector.extract_strided_slice %get3A_431 {offsets = [1], sizes = [1], strides = [1]} : vector<16xi32> to vector<1xi32>
      %squeeze3A_458 = vector.extract %slice3A_457[0] : i32 from vector<1xi32>
      %shift_right_arithmetic3A_459 = arith.constant 3 : i32
      %shift_right_arithmetic3A_460 = arith.shrsi %squeeze3A_458, %shift_right_arithmetic3A_459 : i32
      %and3A_461 = arith.constant 7 : i32
      %and3A_462 = arith.andi %squeeze3A_458, %and3A_461 : i32
      %mul3A_463 = arith.constant 4 : i32
      %mul3A_464 = arith.muli %mul3A_463, %scan3A_23 : i32
      %add3A_465 = arith.constant 2 : i32
      %add3A_466 = arith.addi %mul3A_464, %add3A_465 : i32
      %add3A_467 = arith.constant 0 : i32
      %add3A_468 = arith.addi %add3A_466, %add3A_467 : i32
      %dma_start3A_469 = arith.constant 1 : i32
      %dma_start3A_470 = arith.constant 0 : i32
      %dma_start3A_471 = tpu.memref_slice %arg6[%add3A_468, %dma_start3A_469, %dma_start3A_470] : memref<64x8x64xf32, #tpu.memory_space<vmem>> -> memref<1x1x64xf32, #tpu.memory_space<vmem>>
      %dma_start3A_472 = tpu.memref_squeeze %dma_start3A_471 : memref<1x1x64xf32, #tpu.memory_space<vmem>> -> memref<64xf32, #tpu.memory_space<vmem>>
      %dma_start3A_473 = arith.constant 0 : i32
      %dma_start3A_474 = tpu.memref_slice %arg2[%shift_right_arithmetic3A_460, %and3A_462, %dma_start3A_473] : memref<125000x8x64xf32, #tpu.memory_space<hbm>> -> memref<1x1x64xf32, #tpu.memory_space<hbm>>
      %dma_start3A_475 = tpu.memref_squeeze %dma_start3A_474 : memref<1x1x64xf32, #tpu.memory_space<hbm>> -> memref<64xf32, #tpu.memory_space<hbm>>
      %dma_start3A_476 = arith.constant 0 : i32
      %dma_start3A_477 = tpu.memref_slice %arg6[%add3A_468, %dma_start3A_469, %dma_start3A_476] : memref<64x8x64xf32, #tpu.memory_space<vmem>> -> memref<1x1x64xf32, #tpu.memory_space<vmem>>
      %dma_start3A_478 = tpu.memref_squeeze %dma_start3A_477 : memref<1x1x64xf32, #tpu.memory_space<vmem>> -> memref<64xf32, #tpu.memory_space<vmem>>
      %dma_start3A_479 = arith.constant 0 : i32
      %dma_start3A_480 = tpu.memref_slice %arg2[%shift_right_arithmetic3A_460, %and3A_462, %dma_start3A_479] : memref<125000x8x64xf32, #tpu.memory_space<hbm>> -> memref<1x1x64xf32, #tpu.memory_space<hbm>>
      %dma_start3A_481 = tpu.memref_squeeze %dma_start3A_480 : memref<1x1x64xf32, #tpu.memory_space<hbm>> -> memref<64xf32, #tpu.memory_space<hbm>>
      tpu.enqueue_dma source(%dma_start3A_481 : memref<64xf32, #tpu.memory_space<hbm>>) target(%dma_start3A_478 : memref<64xf32, #tpu.memory_space<vmem>>) target_semaphore(%arg7 : memref<!tpu.dma_semaphore, #tpu.memory_space<semaphore_mem>>)
      %slice3A_482 = vector.extract_strided_slice %get3A_431 {offsets = [2], sizes = [1], strides = [1]} : vector<16xi32> to vector<1xi32>
      %squeeze3A_483 = vector.extract %slice3A_482[0] : i32 from vector<1xi32>
      %shift_right_arithmetic3A_484 = arith.constant 3 : i32
      %shift_right_arithmetic3A_485 = arith.shrsi %squeeze3A_483, %shift_right_arithmetic3A_484 : i32
      %and3A_486 = arith.constant 7 : i32
      %and3A_487 = arith.andi %squeeze3A_483, %and3A_486 : i32
      %mul3A_488 = arith.constant 4 : i32
      %mul3A_489 = arith.muli %mul3A_488, %scan3A_23 : i32
      %add3A_490 = arith.constant 2 : i32
      %add3A_491 = arith.addi %mul3A_489, %add3A_490 : i32
      %add3A_492 = arith.constant 0 : i32
      %add3A_493 = arith.addi %add3A_491, %add3A_492 : i32
      %dma_start3A_494 = arith.constant 2 : i32
      %dma_start3A_495 = arith.constant 0 : i32
      %dma_start3A_496 = tpu.memref_slice %arg6[%add3A_493, %dma_start3A_494, %dma_start3A_495] : memref<64x8x64xf32, #tpu.memory_space<vmem>> -> memref<1x1x64xf32, #tpu.memory_space<vmem>>
      %dma_start3A_497 = tpu.memref_squeeze %dma_start3A_496 : memref<1x1x64xf32, #tpu.memory_space<vmem>> -> memref<64xf32, #tpu.memory_space<vmem>>
      %dma_start3A_498 = arith.constant 0 : i32
      %dma_start3A_499 = tpu.memref_slice %arg2[%shift_right_arithmetic3A_485, %and3A_487, %dma_start3A_498] : memref<125000x8x64xf32, #tpu.memory_space<hbm>> -> memref<1x1x64xf32, #tpu.memory_space<hbm>>
      %dma_start3A_500 = tpu.memref_squeeze %dma_start3A_499 : memref<1x1x64xf32, #tpu.memory_space<hbm>> -> memref<64xf32, #tpu.memory_space<hbm>>
      %dma_start3A_501 = arith.constant 0 : i32
      %dma_start3A_502 = tpu.memref_slice %arg6[%add3A_493, %dma_start3A_494, %dma_start3A_501] : memref<64x8x64xf32, #tpu.memory_space<vmem>> -> memref<1x1x64xf32, #tpu.memory_space<vmem>>
      %dma_start3A_503 = tpu.memref_squeeze %dma_start3A_502 : memref<1x1x64xf32, #tpu.memory_space<vmem>> -> memref<64xf32, #tpu.memory_space<vmem>>
      %dma_start3A_504 = arith.constant 0 : i32
      %dma_start3A_505 = tpu.memref_slice %arg2[%shift_right_arithmetic3A_485, %and3A_487, %dma_start3A_504] : memref<125000x8x64xf32, #tpu.memory_space<hbm>> -> memref<1x1x64xf32, #tpu.memory_space<hbm>>
      %dma_start3A_506 = tpu.memref_squeeze %dma_start3A_505 : memref<1x1x64xf32, #tpu.memory_space<hbm>> -> memref<64xf32, #tpu.memory_space<hbm>>
      tpu.enqueue_dma source(%dma_start3A_506 : memref<64xf32, #tpu.memory_space<hbm>>) target(%dma_start3A_503 : memref<64xf32, #tpu.memory_space<vmem>>) target_semaphore(%arg7 : memref<!tpu.dma_semaphore, #tpu.memory_space<semaphore_mem>>)
      %slice3A_507 = vector.extract_strided_slice %get3A_431 {offsets = [3], sizes = [1], strides = [1]} : vector<16xi32> to vector<1xi32>
      %squeeze3A_508 = vector.extract %slice3A_507[0] : i32 from vector<1xi32>
      %shift_right_arithmetic3A_509 = arith.constant 3 : i32
      %shift_right_arithmetic3A_510 = arith.shrsi %squeeze3A_508, %shift_right_arithmetic3A_509 : i32
      %and3A_511 = arith.constant 7 : i32
      %and3A_512 = arith.andi %squeeze3A_508, %and3A_511 : i32
      %mul3A_513 = arith.constant 4 : i32
      %mul3A_514 = arith.muli %mul3A_513, %scan3A_23 : i32
      %add3A_515 = arith.constant 2 : i32
      %add3A_516 = arith.addi %mul3A_514, %add3A_515 : i32
      %add3A_517 = arith.constant 0 : i32
      %add3A_518 = arith.addi %add3A_516, %add3A_517 : i32
      %dma_start3A_519 = arith.constant 3 : i32
      %dma_start3A_520 = arith.constant 0 : i32
      %dma_start3A_521 = tpu.memref_slice %arg6[%add3A_518, %dma_start3A_519, %dma_start3A_520] : memref<64x8x64xf32, #tpu.memory_space<vmem>> -> memref<1x1x64xf32, #tpu.memory_space<vmem>>
      %dma_start3A_522 = tpu.memref_squeeze %dma_start3A_521 : memref<1x1x64xf32, #tpu.memory_space<vmem>> -> memref<64xf32, #tpu.memory_space<vmem>>
      %dma_start3A_523 = arith.constant 0 : i32
      %dma_start3A_524 = tpu.memref_slice %arg2[%shift_right_arithmetic3A_510, %and3A_512, %dma_start3A_523] : memref<125000x8x64xf32, #tpu.memory_space<hbm>> -> memref<1x1x64xf32, #tpu.memory_space<hbm>>
      %dma_start3A_525 = tpu.memref_squeeze %dma_start3A_524 : memref<1x1x64xf32, #tpu.memory_space<hbm>> -> memref<64xf32, #tpu.memory_space<hbm>>
      %dma_start3A_526 = arith.constant 0 : i32
      %dma_start3A_527 = tpu.memref_slice %arg6[%add3A_518, %dma_start3A_519, %dma_start3A_526] : memref<64x8x64xf32, #tpu.memory_space<vmem>> -> memref<1x1x64xf32, #tpu.memory_space<vmem>>
      %dma_start3A_528 = tpu.memref_squeeze %dma_start3A_527 : memref<1x1x64xf32, #tpu.memory_space<vmem>> -> memref<64xf32, #tpu.memory_space<vmem>>
      %dma_start3A_529 = arith.constant 0 : i32
      %dma_start3A_530 = tpu.memref_slice %arg2[%shift_right_arithmetic3A_510, %and3A_512, %dma_start3A_529] : memref<125000x8x64xf32, #tpu.memory_space<hbm>> -> memref<1x1x64xf32, #tpu.memory_space<hbm>>
      %dma_start3A_531 = tpu.memref_squeeze %dma_start3A_530 : memref<1x1x64xf32, #tpu.memory_space<hbm>> -> memref<64xf32, #tpu.memory_space<hbm>>
      tpu.enqueue_dma source(%dma_start3A_531 : memref<64xf32, #tpu.memory_space<hbm>>) target(%dma_start3A_528 : memref<64xf32, #tpu.memory_space<vmem>>) target_semaphore(%arg7 : memref<!tpu.dma_semaphore, #tpu.memory_space<semaphore_mem>>)
      %slice3A_532 = vector.extract_strided_slice %get3A_431 {offsets = [4], sizes = [1], strides = [1]} : vector<16xi32> to vector<1xi32>
      %squeeze3A_533 = vector.extract %slice3A_532[0] : i32 from vector<1xi32>
      %shift_right_arithmetic3A_534 = arith.constant 3 : i32
      %shift_right_arithmetic3A_535 = arith.shrsi %squeeze3A_533, %shift_right_arithmetic3A_534 : i32
      %and3A_536 = arith.constant 7 : i32
      %and3A_537 = arith.andi %squeeze3A_533, %and3A_536 : i32
      %mul3A_538 = arith.constant 4 : i32
      %mul3A_539 = arith.muli %mul3A_538, %scan3A_23 : i32
      %add3A_540 = arith.constant 2 : i32
      %add3A_541 = arith.addi %mul3A_539, %add3A_540 : i32
      %add3A_542 = arith.constant 0 : i32
      %add3A_543 = arith.addi %add3A_541, %add3A_542 : i32
      %dma_start3A_544 = arith.constant 4 : i32
      %dma_start3A_545 = arith.constant 0 : i32
      %dma_start3A_546 = tpu.memref_slice %arg6[%add3A_543, %dma_start3A_544, %dma_start3A_545] : memref<64x8x64xf32, #tpu.memory_space<vmem>> -> memref<1x1x64xf32, #tpu.memory_space<vmem>>
      %dma_start3A_547 = tpu.memref_squeeze %dma_start3A_546 : memref<1x1x64xf32, #tpu.memory_space<vmem>> -> memref<64xf32, #tpu.memory_space<vmem>>
      %dma_start3A_548 = arith.constant 0 : i32
      %dma_start3A_549 = tpu.memref_slice %arg2[%shift_right_arithmetic3A_535, %and3A_537, %dma_start3A_548] : memref<125000x8x64xf32, #tpu.memory_space<hbm>> -> memref<1x1x64xf32, #tpu.memory_space<hbm>>
      %dma_start3A_550 = tpu.memref_squeeze %dma_start3A_549 : memref<1x1x64xf32, #tpu.memory_space<hbm>> -> memref<64xf32, #tpu.memory_space<hbm>>
      %dma_start3A_551 = arith.constant 0 : i32
      %dma_start3A_552 = tpu.memref_slice %arg6[%add3A_543, %dma_start3A_544, %dma_start3A_551] : memref<64x8x64xf32, #tpu.memory_space<vmem>> -> memref<1x1x64xf32, #tpu.memory_space<vmem>>
      %dma_start3A_553 = tpu.memref_squeeze %dma_start3A_552 : memref<1x1x64xf32, #tpu.memory_space<vmem>> -> memref<64xf32, #tpu.memory_space<vmem>>
      %dma_start3A_554 = arith.constant 0 : i32
      %dma_start3A_555 = tpu.memref_slice %arg2[%shift_right_arithmetic3A_535, %and3A_537, %dma_start3A_554] : memref<125000x8x64xf32, #tpu.memory_space<hbm>> -> memref<1x1x64xf32, #tpu.memory_space<hbm>>
      %dma_start3A_556 = tpu.memref_squeeze %dma_start3A_555 : memref<1x1x64xf32, #tpu.memory_space<hbm>> -> memref<64xf32, #tpu.memory_space<hbm>>
      tpu.enqueue_dma source(%dma_start3A_556 : memref<64xf32, #tpu.memory_space<hbm>>) target(%dma_start3A_553 : memref<64xf32, #tpu.memory_space<vmem>>) target_semaphore(%arg7 : memref<!tpu.dma_semaphore, #tpu.memory_space<semaphore_mem>>)
      %slice3A_557 = vector.extract_strided_slice %get3A_431 {offsets = [5], sizes = [1], strides = [1]} : vector<16xi32> to vector<1xi32>
      %squeeze3A_558 = vector.extract %slice3A_557[0] : i32 from vector<1xi32>
      %shift_right_arithmetic3A_559 = arith.constant 3 : i32
      %shift_right_arithmetic3A_560 = arith.shrsi %squeeze3A_558, %shift_right_arithmetic3A_559 : i32
      %and3A_561 = arith.constant 7 : i32
      %and3A_562 = arith.andi %squeeze3A_558, %and3A_561 : i32
      %mul3A_563 = arith.constant 4 : i32
      %mul3A_564 = arith.muli %mul3A_563, %scan3A_23 : i32
      %add3A_565 = arith.constant 2 : i32
      %add3A_566 = arith.addi %mul3A_564, %add3A_565 : i32
      %add3A_567 = arith.constant 0 : i32
      %add3A_568 = arith.addi %add3A_566, %add3A_567 : i32
      %dma_start3A_569 = arith.constant 5 : i32
      %dma_start3A_570 = arith.constant 0 : i32
      %dma_start3A_571 = tpu.memref_slice %arg6[%add3A_568, %dma_start3A_569, %dma_start3A_570] : memref<64x8x64xf32, #tpu.memory_space<vmem>> -> memref<1x1x64xf32, #tpu.memory_space<vmem>>
      %dma_start3A_572 = tpu.memref_squeeze %dma_start3A_571 : memref<1x1x64xf32, #tpu.memory_space<vmem>> -> memref<64xf32, #tpu.memory_space<vmem>>
      %dma_start3A_573 = arith.constant 0 : i32
      %dma_start3A_574 = tpu.memref_slice %arg2[%shift_right_arithmetic3A_560, %and3A_562, %dma_start3A_573] : memref<125000x8x64xf32, #tpu.memory_space<hbm>> -> memref<1x1x64xf32, #tpu.memory_space<hbm>>
      %dma_start3A_575 = tpu.memref_squeeze %dma_start3A_574 : memref<1x1x64xf32, #tpu.memory_space<hbm>> -> memref<64xf32, #tpu.memory_space<hbm>>
      %dma_start3A_576 = arith.constant 0 : i32
      %dma_start3A_577 = tpu.memref_slice %arg6[%add3A_568, %dma_start3A_569, %dma_start3A_576] : memref<64x8x64xf32, #tpu.memory_space<vmem>> -> memref<1x1x64xf32, #tpu.memory_space<vmem>>
      %dma_start3A_578 = tpu.memref_squeeze %dma_start3A_577 : memref<1x1x64xf32, #tpu.memory_space<vmem>> -> memref<64xf32, #tpu.memory_space<vmem>>
      %dma_start3A_579 = arith.constant 0 : i32
      %dma_start3A_580 = tpu.memref_slice %arg2[%shift_right_arithmetic3A_560, %and3A_562, %dma_start3A_579] : memref<125000x8x64xf32, #tpu.memory_space<hbm>> -> memref<1x1x64xf32, #tpu.memory_space<hbm>>
      %dma_start3A_581 = tpu.memref_squeeze %dma_start3A_580 : memref<1x1x64xf32, #tpu.memory_space<hbm>> -> memref<64xf32, #tpu.memory_space<hbm>>
      tpu.enqueue_dma source(%dma_start3A_581 : memref<64xf32, #tpu.memory_space<hbm>>) target(%dma_start3A_578 : memref<64xf32, #tpu.memory_space<vmem>>) target_semaphore(%arg7 : memref<!tpu.dma_semaphore, #tpu.memory_space<semaphore_mem>>)
      %slice3A_582 = vector.extract_strided_slice %get3A_431 {offsets = [6], sizes = [1], strides = [1]} : vector<16xi32> to vector<1xi32>
      %squeeze3A_583 = vector.extract %slice3A_582[0] : i32 from vector<1xi32>
      %shift_right_arithmetic3A_584 = arith.constant 3 : i32
      %shift_right_arithmetic3A_585 = arith.shrsi %squeeze3A_583, %shift_right_arithmetic3A_584 : i32
      %and3A_586 = arith.constant 7 : i32
      %and3A_587 = arith.andi %squeeze3A_583, %and3A_586 : i32
      %mul3A_588 = arith.constant 4 : i32
      %mul3A_589 = arith.muli %mul3A_588, %scan3A_23 : i32
      %add3A_590 = arith.constant 2 : i32
      %add3A_591 = arith.addi %mul3A_589, %add3A_590 : i32
      %add3A_592 = arith.constant 0 : i32
      %add3A_593 = arith.addi %add3A_591, %add3A_592 : i32
      %dma_start3A_594 = arith.constant 6 : i32
      %dma_start3A_595 = arith.constant 0 : i32
      %dma_start3A_596 = tpu.memref_slice %arg6[%add3A_593, %dma_start3A_594, %dma_start3A_595] : memref<64x8x64xf32, #tpu.memory_space<vmem>> -> memref<1x1x64xf32, #tpu.memory_space<vmem>>
      %dma_start3A_597 = tpu.memref_squeeze %dma_start3A_596 : memref<1x1x64xf32, #tpu.memory_space<vmem>> -> memref<64xf32, #tpu.memory_space<vmem>>
      %dma_start3A_598 = arith.constant 0 : i32
      %dma_start3A_599 = tpu.memref_slice %arg2[%shift_right_arithmetic3A_585, %and3A_587, %dma_start3A_598] : memref<125000x8x64xf32, #tpu.memory_space<hbm>> -> memref<1x1x64xf32, #tpu.memory_space<hbm>>
      %dma_start3A_600 = tpu.memref_squeeze %dma_start3A_599 : memref<1x1x64xf32, #tpu.memory_space<hbm>> -> memref<64xf32, #tpu.memory_space<hbm>>
      %dma_start3A_601 = arith.constant 0 : i32
      %dma_start3A_602 = tpu.memref_slice %arg6[%add3A_593, %dma_start3A_594, %dma_start3A_601] : memref<64x8x64xf32, #tpu.memory_space<vmem>> -> memref<1x1x64xf32, #tpu.memory_space<vmem>>
      %dma_start3A_603 = tpu.memref_squeeze %dma_start3A_602 : memref<1x1x64xf32, #tpu.memory_space<vmem>> -> memref<64xf32, #tpu.memory_space<vmem>>
      %dma_start3A_604 = arith.constant 0 : i32
      %dma_start3A_605 = tpu.memref_slice %arg2[%shift_right_arithmetic3A_585, %and3A_587, %dma_start3A_604] : memref<125000x8x64xf32, #tpu.memory_space<hbm>> -> memref<1x1x64xf32, #tpu.memory_space<hbm>>
      %dma_start3A_606 = tpu.memref_squeeze %dma_start3A_605 : memref<1x1x64xf32, #tpu.memory_space<hbm>> -> memref<64xf32, #tpu.memory_space<hbm>>
      tpu.enqueue_dma source(%dma_start3A_606 : memref<64xf32, #tpu.memory_space<hbm>>) target(%dma_start3A_603 : memref<64xf32, #tpu.memory_space<vmem>>) target_semaphore(%arg7 : memref<!tpu.dma_semaphore, #tpu.memory_space<semaphore_mem>>)
      %slice3A_607 = vector.extract_strided_slice %get3A_431 {offsets = [7], sizes = [1], strides = [1]} : vector<16xi32> to vector<1xi32>
      %squeeze3A_608 = vector.extract %slice3A_607[0] : i32 from vector<1xi32>
      %shift_right_arithmetic3A_609 = arith.constant 3 : i32
      %shift_right_arithmetic3A_610 = arith.shrsi %squeeze3A_608, %shift_right_arithmetic3A_609 : i32
      %and3A_611 = arith.constant 7 : i32
      %and3A_612 = arith.andi %squeeze3A_608, %and3A_611 : i32
      %mul3A_613 = arith.constant 4 : i32
      %mul3A_614 = arith.muli %mul3A_613, %scan3A_23 : i32
      %add3A_615 = arith.constant 2 : i32
      %add3A_616 = arith.addi %mul3A_614, %add3A_615 : i32
      %add3A_617 = arith.constant 0 : i32
      %add3A_618 = arith.addi %add3A_616, %add3A_617 : i32
      %dma_start3A_619 = arith.constant 7 : i32
      %dma_start3A_620 = arith.constant 0 : i32
      %dma_start3A_621 = tpu.memref_slice %arg6[%add3A_618, %dma_start3A_619, %dma_start3A_620] : memref<64x8x64xf32, #tpu.memory_space<vmem>> -> memref<1x1x64xf32, #tpu.memory_space<vmem>>
      %dma_start3A_622 = tpu.memref_squeeze %dma_start3A_621 : memref<1x1x64xf32, #tpu.memory_space<vmem>> -> memref<64xf32, #tpu.memory_space<vmem>>
      %dma_start3A_623 = arith.constant 0 : i32
      %dma_start3A_624 = tpu.memref_slice %arg2[%shift_right_arithmetic3A_610, %and3A_612, %dma_start3A_623] : memref<125000x8x64xf32, #tpu.memory_space<hbm>> -> memref<1x1x64xf32, #tpu.memory_space<hbm>>
      %dma_start3A_625 = tpu.memref_squeeze %dma_start3A_624 : memref<1x1x64xf32, #tpu.memory_space<hbm>> -> memref<64xf32, #tpu.memory_space<hbm>>
      %dma_start3A_626 = arith.constant 0 : i32
      %dma_start3A_627 = tpu.memref_slice %arg6[%add3A_618, %dma_start3A_619, %dma_start3A_626] : memref<64x8x64xf32, #tpu.memory_space<vmem>> -> memref<1x1x64xf32, #tpu.memory_space<vmem>>
      %dma_start3A_628 = tpu.memref_squeeze %dma_start3A_627 : memref<1x1x64xf32, #tpu.memory_space<vmem>> -> memref<64xf32, #tpu.memory_space<vmem>>
      %dma_start3A_629 = arith.constant 0 : i32
      %dma_start3A_630 = tpu.memref_slice %arg2[%shift_right_arithmetic3A_610, %and3A_612, %dma_start3A_629] : memref<125000x8x64xf32, #tpu.memory_space<hbm>> -> memref<1x1x64xf32, #tpu.memory_space<hbm>>
      %dma_start3A_631 = tpu.memref_squeeze %dma_start3A_630 : memref<1x1x64xf32, #tpu.memory_space<hbm>> -> memref<64xf32, #tpu.memory_space<hbm>>
      tpu.enqueue_dma source(%dma_start3A_631 : memref<64xf32, #tpu.memory_space<hbm>>) target(%dma_start3A_628 : memref<64xf32, #tpu.memory_space<vmem>>) target_semaphore(%arg7 : memref<!tpu.dma_semaphore, #tpu.memory_space<semaphore_mem>>)
      %slice3A_632 = vector.extract_strided_slice %get3A_431 {offsets = [8], sizes = [1], strides = [1]} : vector<16xi32> to vector<1xi32>
      %squeeze3A_633 = vector.extract %slice3A_632[0] : i32 from vector<1xi32>
      %shift_right_arithmetic3A_634 = arith.constant 3 : i32
      %shift_right_arithmetic3A_635 = arith.shrsi %squeeze3A_633, %shift_right_arithmetic3A_634 : i32
      %and3A_636 = arith.constant 7 : i32
      %and3A_637 = arith.andi %squeeze3A_633, %and3A_636 : i32
      %mul3A_638 = arith.constant 4 : i32
      %mul3A_639 = arith.muli %mul3A_638, %scan3A_23 : i32
      %add3A_640 = arith.constant 2 : i32
      %add3A_641 = arith.addi %mul3A_639, %add3A_640 : i32
      %add3A_642 = arith.constant 1 : i32
      %add3A_643 = arith.addi %add3A_641, %add3A_642 : i32
      %dma_start3A_644 = arith.constant 0 : i32
      %dma_start3A_645 = arith.constant 0 : i32
      %dma_start3A_646 = tpu.memref_slice %arg6[%add3A_643, %dma_start3A_644, %dma_start3A_645] : memref<64x8x64xf32, #tpu.memory_space<vmem>> -> memref<1x1x64xf32, #tpu.memory_space<vmem>>
      %dma_start3A_647 = tpu.memref_squeeze %dma_start3A_646 : memref<1x1x64xf32, #tpu.memory_space<vmem>> -> memref<64xf32, #tpu.memory_space<vmem>>
      %dma_start3A_648 = arith.constant 0 : i32
      %dma_start3A_649 = tpu.memref_slice %arg2[%shift_right_arithmetic3A_635, %and3A_637, %dma_start3A_648] : memref<125000x8x64xf32, #tpu.memory_space<hbm>> -> memref<1x1x64xf32, #tpu.memory_space<hbm>>
      %dma_start3A_650 = tpu.memref_squeeze %dma_start3A_649 : memref<1x1x64xf32, #tpu.memory_space<hbm>> -> memref<64xf32, #tpu.memory_space<hbm>>
      %dma_start3A_651 = arith.constant 0 : i32
      %dma_start3A_652 = tpu.memref_slice %arg6[%add3A_643, %dma_start3A_644, %dma_start3A_651] : memref<64x8x64xf32, #tpu.memory_space<vmem>> -> memref<1x1x64xf32, #tpu.memory_space<vmem>>
      %dma_start3A_653 = tpu.memref_squeeze %dma_start3A_652 : memref<1x1x64xf32, #tpu.memory_space<vmem>> -> memref<64xf32, #tpu.memory_space<vmem>>
      %dma_start3A_654 = arith.constant 0 : i32
      %dma_start3A_655 = tpu.memref_slice %arg2[%shift_right_arithmetic3A_635, %and3A_637, %dma_start3A_654] : memref<125000x8x64xf32, #tpu.memory_space<hbm>> -> memref<1x1x64xf32, #tpu.memory_space<hbm>>
      %dma_start3A_656 = tpu.memref_squeeze %dma_start3A_655 : memref<1x1x64xf32, #tpu.memory_space<hbm>> -> memref<64xf32, #tpu.memory_space<hbm>>
      tpu.enqueue_dma source(%dma_start3A_656 : memref<64xf32, #tpu.memory_space<hbm>>) target(%dma_start3A_653 : memref<64xf32, #tpu.memory_space<vmem>>) target_semaphore(%arg7 : memref<!tpu.dma_semaphore, #tpu.memory_space<semaphore_mem>>)
      %slice3A_657 = vector.extract_strided_slice %get3A_431 {offsets = [9], sizes = [1], strides = [1]} : vector<16xi32> to vector<1xi32>
      %squeeze3A_658 = vector.extract %slice3A_657[0] : i32 from vector<1xi32>
      %shift_right_arithmetic3A_659 = arith.constant 3 : i32
      %shift_right_arithmetic3A_660 = arith.shrsi %squeeze3A_658, %shift_right_arithmetic3A_659 : i32
      %and3A_661 = arith.constant 7 : i32
      %and3A_662 = arith.andi %squeeze3A_658, %and3A_661 : i32
      %mul3A_663 = arith.constant 4 : i32
      %mul3A_664 = arith.muli %mul3A_663, %scan3A_23 : i32
      %add3A_665 = arith.constant 2 : i32
      %add3A_666 = arith.addi %mul3A_664, %add3A_665 : i32
      %add3A_667 = arith.constant 1 : i32
      %add3A_668 = arith.addi %add3A_666, %add3A_667 : i32
      %dma_start3A_669 = arith.constant 1 : i32
      %dma_start3A_670 = arith.constant 0 : i32
      %dma_start3A_671 = tpu.memref_slice %arg6[%add3A_668, %dma_start3A_669, %dma_start3A_670] : memref<64x8x64xf32, #tpu.memory_space<vmem>> -> memref<1x1x64xf32, #tpu.memory_space<vmem>>
      %dma_start3A_672 = tpu.memref_squeeze %dma_start3A_671 : memref<1x1x64xf32, #tpu.memory_space<vmem>> -> memref<64xf32, #tpu.memory_space<vmem>>
      %dma_start3A_673 = arith.constant 0 : i32
      %dma_start3A_674 = tpu.memref_slice %arg2[%shift_right_arithmetic3A_660, %and3A_662, %dma_start3A_673] : memref<125000x8x64xf32, #tpu.memory_space<hbm>> -> memref<1x1x64xf32, #tpu.memory_space<hbm>>
      %dma_start3A_675 = tpu.memref_squeeze %dma_start3A_674 : memref<1x1x64xf32, #tpu.memory_space<hbm>> -> memref<64xf32, #tpu.memory_space<hbm>>
      %dma_start3A_676 = arith.constant 0 : i32
      %dma_start3A_677 = tpu.memref_slice %arg6[%add3A_668, %dma_start3A_669, %dma_start3A_676] : memref<64x8x64xf32, #tpu.memory_space<vmem>> -> memref<1x1x64xf32, #tpu.memory_space<vmem>>
      %dma_start3A_678 = tpu.memref_squeeze %dma_start3A_677 : memref<1x1x64xf32, #tpu.memory_space<vmem>> -> memref<64xf32, #tpu.memory_space<vmem>>
      %dma_start3A_679 = arith.constant 0 : i32
      %dma_start3A_680 = tpu.memref_slice %arg2[%shift_right_arithmetic3A_660, %and3A_662, %dma_start3A_679] : memref<125000x8x64xf32, #tpu.memory_space<hbm>> -> memref<1x1x64xf32, #tpu.memory_space<hbm>>
      %dma_start3A_681 = tpu.memref_squeeze %dma_start3A_680 : memref<1x1x64xf32, #tpu.memory_space<hbm>> -> memref<64xf32, #tpu.memory_space<hbm>>
      tpu.enqueue_dma source(%dma_start3A_681 : memref<64xf32, #tpu.memory_space<hbm>>) target(%dma_start3A_678 : memref<64xf32, #tpu.memory_space<vmem>>) target_semaphore(%arg7 : memref<!tpu.dma_semaphore, #tpu.memory_space<semaphore_mem>>)
      %slice3A_682 = vector.extract_strided_slice %get3A_431 {offsets = [10], sizes = [1], strides = [1]} : vector<16xi32> to vector<1xi32>
      %squeeze3A_683 = vector.extract %slice3A_682[0] : i32 from vector<1xi32>
      %shift_right_arithmetic3A_684 = arith.constant 3 : i32
      %shift_right_arithmetic3A_685 = arith.shrsi %squeeze3A_683, %shift_right_arithmetic3A_684 : i32
      %and3A_686 = arith.constant 7 : i32
      %and3A_687 = arith.andi %squeeze3A_683, %and3A_686 : i32
      %mul3A_688 = arith.constant 4 : i32
      %mul3A_689 = arith.muli %mul3A_688, %scan3A_23 : i32
      %add3A_690 = arith.constant 2 : i32
      %add3A_691 = arith.addi %mul3A_689, %add3A_690 : i32
      %add3A_692 = arith.constant 1 : i32
      %add3A_693 = arith.addi %add3A_691, %add3A_692 : i32
      %dma_start3A_694 = arith.constant 2 : i32
      %dma_start3A_695 = arith.constant 0 : i32
      %dma_start3A_696 = tpu.memref_slice %arg6[%add3A_693, %dma_start3A_694, %dma_start3A_695] : memref<64x8x64xf32, #tpu.memory_space<vmem>> -> memref<1x1x64xf32, #tpu.memory_space<vmem>>
      %dma_start3A_697 = tpu.memref_squeeze %dma_start3A_696 : memref<1x1x64xf32, #tpu.memory_space<vmem>> -> memref<64xf32, #tpu.memory_space<vmem>>
      %dma_start3A_698 = arith.constant 0 : i32
      %dma_start3A_699 = tpu.memref_slice %arg2[%shift_right_arithmetic3A_685, %and3A_687, %dma_start3A_698] : memref<125000x8x64xf32, #tpu.memory_space<hbm>> -> memref<1x1x64xf32, #tpu.memory_space<hbm>>
      %dma_start3A_700 = tpu.memref_squeeze %dma_start3A_699 : memref<1x1x64xf32, #tpu.memory_space<hbm>> -> memref<64xf32, #tpu.memory_space<hbm>>
      %dma_start3A_701 = arith.constant 0 : i32
      %dma_start3A_702 = tpu.memref_slice %arg6[%add3A_693, %dma_start3A_694, %dma_start3A_701] : memref<64x8x64xf32, #tpu.memory_space<vmem>> -> memref<1x1x64xf32, #tpu.memory_space<vmem>>
      %dma_start3A_703 = tpu.memref_squeeze %dma_start3A_702 : memref<1x1x64xf32, #tpu.memory_space<vmem>> -> memref<64xf32, #tpu.memory_space<vmem>>
      %dma_start3A_704 = arith.constant 0 : i32
      %dma_start3A_705 = tpu.memref_slice %arg2[%shift_right_arithmetic3A_685, %and3A_687, %dma_start3A_704] : memref<125000x8x64xf32, #tpu.memory_space<hbm>> -> memref<1x1x64xf32, #tpu.memory_space<hbm>>
      %dma_start3A_706 = tpu.memref_squeeze %dma_start3A_705 : memref<1x1x64xf32, #tpu.memory_space<hbm>> -> memref<64xf32, #tpu.memory_space<hbm>>
      tpu.enqueue_dma source(%dma_start3A_706 : memref<64xf32, #tpu.memory_space<hbm>>) target(%dma_start3A_703 : memref<64xf32, #tpu.memory_space<vmem>>) target_semaphore(%arg7 : memref<!tpu.dma_semaphore, #tpu.memory_space<semaphore_mem>>)
      %slice3A_707 = vector.extract_strided_slice %get3A_431 {offsets = [11], sizes = [1], strides = [1]} : vector<16xi32> to vector<1xi32>
      %squeeze3A_708 = vector.extract %slice3A_707[0] : i32 from vector<1xi32>
      %shift_right_arithmetic3A_709 = arith.constant 3 : i32
      %shift_right_arithmetic3A_710 = arith.shrsi %squeeze3A_708, %shift_right_arithmetic3A_709 : i32
      %and3A_711 = arith.constant 7 : i32
      %and3A_712 = arith.andi %squeeze3A_708, %and3A_711 : i32
      %mul3A_713 = arith.constant 4 : i32
      %mul3A_714 = arith.muli %mul3A_713, %scan3A_23 : i32
      %add3A_715 = arith.constant 2 : i32
      %add3A_716 = arith.addi %mul3A_714, %add3A_715 : i32
      %add3A_717 = arith.constant 1 : i32
      %add3A_718 = arith.addi %add3A_716, %add3A_717 : i32
      %dma_start3A_719 = arith.constant 3 : i32
      %dma_start3A_720 = arith.constant 0 : i32
      %dma_start3A_721 = tpu.memref_slice %arg6[%add3A_718, %dma_start3A_719, %dma_start3A_720] : memref<64x8x64xf32, #tpu.memory_space<vmem>> -> memref<1x1x64xf32, #tpu.memory_space<vmem>>
      %dma_start3A_722 = tpu.memref_squeeze %dma_start3A_721 : memref<1x1x64xf32, #tpu.memory_space<vmem>> -> memref<64xf32, #tpu.memory_space<vmem>>
      %dma_start3A_723 = arith.constant 0 : i32
      %dma_start3A_724 = tpu.memref_slice %arg2[%shift_right_arithmetic3A_710, %and3A_712, %dma_start3A_723] : memref<125000x8x64xf32, #tpu.memory_space<hbm>> -> memref<1x1x64xf32, #tpu.memory_space<hbm>>
      %dma_start3A_725 = tpu.memref_squeeze %dma_start3A_724 : memref<1x1x64xf32, #tpu.memory_space<hbm>> -> memref<64xf32, #tpu.memory_space<hbm>>
      %dma_start3A_726 = arith.constant 0 : i32
      %dma_start3A_727 = tpu.memref_slice %arg6[%add3A_718, %dma_start3A_719, %dma_start3A_726] : memref<64x8x64xf32, #tpu.memory_space<vmem>> -> memref<1x1x64xf32, #tpu.memory_space<vmem>>
      %dma_start3A_728 = tpu.memref_squeeze %dma_start3A_727 : memref<1x1x64xf32, #tpu.memory_space<vmem>> -> memref<64xf32, #tpu.memory_space<vmem>>
      %dma_start3A_729 = arith.constant 0 : i32
      %dma_start3A_730 = tpu.memref_slice %arg2[%shift_right_arithmetic3A_710, %and3A_712, %dma_start3A_729] : memref<125000x8x64xf32, #tpu.memory_space<hbm>> -> memref<1x1x64xf32, #tpu.memory_space<hbm>>
      %dma_start3A_731 = tpu.memref_squeeze %dma_start3A_730 : memref<1x1x64xf32, #tpu.memory_space<hbm>> -> memref<64xf32, #tpu.memory_space<hbm>>
      tpu.enqueue_dma source(%dma_start3A_731 : memref<64xf32, #tpu.memory_space<hbm>>) target(%dma_start3A_728 : memref<64xf32, #tpu.memory_space<vmem>>) target_semaphore(%arg7 : memref<!tpu.dma_semaphore, #tpu.memory_space<semaphore_mem>>)
      %slice3A_732 = vector.extract_strided_slice %get3A_431 {offsets = [12], sizes = [1], strides = [1]} : vector<16xi32> to vector<1xi32>
      %squeeze3A_733 = vector.extract %slice3A_732[0] : i32 from vector<1xi32>
      %shift_right_arithmetic3A_734 = arith.constant 3 : i32
      %shift_right_arithmetic3A_735 = arith.shrsi %squeeze3A_733, %shift_right_arithmetic3A_734 : i32
      %and3A_736 = arith.constant 7 : i32
      %and3A_737 = arith.andi %squeeze3A_733, %and3A_736 : i32
      %mul3A_738 = arith.constant 4 : i32
      %mul3A_739 = arith.muli %mul3A_738, %scan3A_23 : i32
      %add3A_740 = arith.constant 2 : i32
      %add3A_741 = arith.addi %mul3A_739, %add3A_740 : i32
      %add3A_742 = arith.constant 1 : i32
      %add3A_743 = arith.addi %add3A_741, %add3A_742 : i32
      %dma_start3A_744 = arith.constant 4 : i32
      %dma_start3A_745 = arith.constant 0 : i32
      %dma_start3A_746 = tpu.memref_slice %arg6[%add3A_743, %dma_start3A_744, %dma_start3A_745] : memref<64x8x64xf32, #tpu.memory_space<vmem>> -> memref<1x1x64xf32, #tpu.memory_space<vmem>>
      %dma_start3A_747 = tpu.memref_squeeze %dma_start3A_746 : memref<1x1x64xf32, #tpu.memory_space<vmem>> -> memref<64xf32, #tpu.memory_space<vmem>>
      %dma_start3A_748 = arith.constant 0 : i32
      %dma_start3A_749 = tpu.memref_slice %arg2[%shift_right_arithmetic3A_735, %and3A_737, %dma_start3A_748] : memref<125000x8x64xf32, #tpu.memory_space<hbm>> -> memref<1x1x64xf32, #tpu.memory_space<hbm>>
      %dma_start3A_750 = tpu.memref_squeeze %dma_start3A_749 : memref<1x1x64xf32, #tpu.memory_space<hbm>> -> memref<64xf32, #tpu.memory_space<hbm>>
      %dma_start3A_751 = arith.constant 0 : i32
      %dma_start3A_752 = tpu.memref_slice %arg6[%add3A_743, %dma_start3A_744, %dma_start3A_751] : memref<64x8x64xf32, #tpu.memory_space<vmem>> -> memref<1x1x64xf32, #tpu.memory_space<vmem>>
      %dma_start3A_753 = tpu.memref_squeeze %dma_start3A_752 : memref<1x1x64xf32, #tpu.memory_space<vmem>> -> memref<64xf32, #tpu.memory_space<vmem>>
      %dma_start3A_754 = arith.constant 0 : i32
      %dma_start3A_755 = tpu.memref_slice %arg2[%shift_right_arithmetic3A_735, %and3A_737, %dma_start3A_754] : memref<125000x8x64xf32, #tpu.memory_space<hbm>> -> memref<1x1x64xf32, #tpu.memory_space<hbm>>
      %dma_start3A_756 = tpu.memref_squeeze %dma_start3A_755 : memref<1x1x64xf32, #tpu.memory_space<hbm>> -> memref<64xf32, #tpu.memory_space<hbm>>
      tpu.enqueue_dma source(%dma_start3A_756 : memref<64xf32, #tpu.memory_space<hbm>>) target(%dma_start3A_753 : memref<64xf32, #tpu.memory_space<vmem>>) target_semaphore(%arg7 : memref<!tpu.dma_semaphore, #tpu.memory_space<semaphore_mem>>)
      %slice3A_757 = vector.extract_strided_slice %get3A_431 {offsets = [13], sizes = [1], strides = [1]} : vector<16xi32> to vector<1xi32>
      %squeeze3A_758 = vector.extract %slice3A_757[0] : i32 from vector<1xi32>
      %shift_right_arithmetic3A_759 = arith.constant 3 : i32
      %shift_right_arithmetic3A_760 = arith.shrsi %squeeze3A_758, %shift_right_arithmetic3A_759 : i32
      %and3A_761 = arith.constant 7 : i32
      %and3A_762 = arith.andi %squeeze3A_758, %and3A_761 : i32
      %mul3A_763 = arith.constant 4 : i32
      %mul3A_764 = arith.muli %mul3A_763, %scan3A_23 : i32
      %add3A_765 = arith.constant 2 : i32
      %add3A_766 = arith.addi %mul3A_764, %add3A_765 : i32
      %add3A_767 = arith.constant 1 : i32
      %add3A_768 = arith.addi %add3A_766, %add3A_767 : i32
      %dma_start3A_769 = arith.constant 5 : i32
      %dma_start3A_770 = arith.constant 0 : i32
      %dma_start3A_771 = tpu.memref_slice %arg6[%add3A_768, %dma_start3A_769, %dma_start3A_770] : memref<64x8x64xf32, #tpu.memory_space<vmem>> -> memref<1x1x64xf32, #tpu.memory_space<vmem>>
      %dma_start3A_772 = tpu.memref_squeeze %dma_start3A_771 : memref<1x1x64xf32, #tpu.memory_space<vmem>> -> memref<64xf32, #tpu.memory_space<vmem>>
      %dma_start3A_773 = arith.constant 0 : i32
      %dma_start3A_774 = tpu.memref_slice %arg2[%shift_right_arithmetic3A_760, %and3A_762, %dma_start3A_773] : memref<125000x8x64xf32, #tpu.memory_space<hbm>> -> memref<1x1x64xf32, #tpu.memory_space<hbm>>
      %dma_start3A_775 = tpu.memref_squeeze %dma_start3A_774 : memref<1x1x64xf32, #tpu.memory_space<hbm>> -> memref<64xf32, #tpu.memory_space<hbm>>
      %dma_start3A_776 = arith.constant 0 : i32
      %dma_start3A_777 = tpu.memref_slice %arg6[%add3A_768, %dma_start3A_769, %dma_start3A_776] : memref<64x8x64xf32, #tpu.memory_space<vmem>> -> memref<1x1x64xf32, #tpu.memory_space<vmem>>
      %dma_start3A_778 = tpu.memref_squeeze %dma_start3A_777 : memref<1x1x64xf32, #tpu.memory_space<vmem>> -> memref<64xf32, #tpu.memory_space<vmem>>
      %dma_start3A_779 = arith.constant 0 : i32
      %dma_start3A_780 = tpu.memref_slice %arg2[%shift_right_arithmetic3A_760, %and3A_762, %dma_start3A_779] : memref<125000x8x64xf32, #tpu.memory_space<hbm>> -> memref<1x1x64xf32, #tpu.memory_space<hbm>>
      %dma_start3A_781 = tpu.memref_squeeze %dma_start3A_780 : memref<1x1x64xf32, #tpu.memory_space<hbm>> -> memref<64xf32, #tpu.memory_space<hbm>>
      tpu.enqueue_dma source(%dma_start3A_781 : memref<64xf32, #tpu.memory_space<hbm>>) target(%dma_start3A_778 : memref<64xf32, #tpu.memory_space<vmem>>) target_semaphore(%arg7 : memref<!tpu.dma_semaphore, #tpu.memory_space<semaphore_mem>>)
      %slice3A_782 = vector.extract_strided_slice %get3A_431 {offsets = [14], sizes = [1], strides = [1]} : vector<16xi32> to vector<1xi32>
      %squeeze3A_783 = vector.extract %slice3A_782[0] : i32 from vector<1xi32>
      %shift_right_arithmetic3A_784 = arith.constant 3 : i32
      %shift_right_arithmetic3A_785 = arith.shrsi %squeeze3A_783, %shift_right_arithmetic3A_784 : i32
      %and3A_786 = arith.constant 7 : i32
      %and3A_787 = arith.andi %squeeze3A_783, %and3A_786 : i32
      %mul3A_788 = arith.constant 4 : i32
      %mul3A_789 = arith.muli %mul3A_788, %scan3A_23 : i32
      %add3A_790 = arith.constant 2 : i32
      %add3A_791 = arith.addi %mul3A_789, %add3A_790 : i32
      %add3A_792 = arith.constant 1 : i32
      %add3A_793 = arith.addi %add3A_791, %add3A_792 : i32
      %dma_start3A_794 = arith.constant 6 : i32
      %dma_start3A_795 = arith.constant 0 : i32
      %dma_start3A_796 = tpu.memref_slice %arg6[%add3A_793, %dma_start3A_794, %dma_start3A_795] : memref<64x8x64xf32, #tpu.memory_space<vmem>> -> memref<1x1x64xf32, #tpu.memory_space<vmem>>
      %dma_start3A_797 = tpu.memref_squeeze %dma_start3A_796 : memref<1x1x64xf32, #tpu.memory_space<vmem>> -> memref<64xf32, #tpu.memory_space<vmem>>
      %dma_start3A_798 = arith.constant 0 : i32
      %dma_start3A_799 = tpu.memref_slice %arg2[%shift_right_arithmetic3A_785, %and3A_787, %dma_start3A_798] : memref<125000x8x64xf32, #tpu.memory_space<hbm>> -> memref<1x1x64xf32, #tpu.memory_space<hbm>>
      %dma_start3A_800 = tpu.memref_squeeze %dma_start3A_799 : memref<1x1x64xf32, #tpu.memory_space<hbm>> -> memref<64xf32, #tpu.memory_space<hbm>>
      %dma_start3A_801 = arith.constant 0 : i32
      %dma_start3A_802 = tpu.memref_slice %arg6[%add3A_793, %dma_start3A_794, %dma_start3A_801] : memref<64x8x64xf32, #tpu.memory_space<vmem>> -> memref<1x1x64xf32, #tpu.memory_space<vmem>>
      %dma_start3A_803 = tpu.memref_squeeze %dma_start3A_802 : memref<1x1x64xf32, #tpu.memory_space<vmem>> -> memref<64xf32, #tpu.memory_space<vmem>>
      %dma_start3A_804 = arith.constant 0 : i32
      %dma_start3A_805 = tpu.memref_slice %arg2[%shift_right_arithmetic3A_785, %and3A_787, %dma_start3A_804] : memref<125000x8x64xf32, #tpu.memory_space<hbm>> -> memref<1x1x64xf32, #tpu.memory_space<hbm>>
      %dma_start3A_806 = tpu.memref_squeeze %dma_start3A_805 : memref<1x1x64xf32, #tpu.memory_space<hbm>> -> memref<64xf32, #tpu.memory_space<hbm>>
      tpu.enqueue_dma source(%dma_start3A_806 : memref<64xf32, #tpu.memory_space<hbm>>) target(%dma_start3A_803 : memref<64xf32, #tpu.memory_space<vmem>>) target_semaphore(%arg7 : memref<!tpu.dma_semaphore, #tpu.memory_space<semaphore_mem>>)
      %slice3A_807 = vector.extract_strided_slice %get3A_431 {offsets = [15], sizes = [1], strides = [1]} : vector<16xi32> to vector<1xi32>
      %squeeze3A_808 = vector.extract %slice3A_807[0] : i32 from vector<1xi32>
      %shift_right_arithmetic3A_809 = arith.constant 3 : i32
      %shift_right_arithmetic3A_810 = arith.shrsi %squeeze3A_808, %shift_right_arithmetic3A_809 : i32
      %and3A_811 = arith.constant 7 : i32
      %and3A_812 = arith.andi %squeeze3A_808, %and3A_811 : i32
      %mul3A_813 = arith.constant 4 : i32
      %mul3A_814 = arith.muli %mul3A_813, %scan3A_23 : i32
      %add3A_815 = arith.constant 2 : i32
      %add3A_816 = arith.addi %mul3A_814, %add3A_815 : i32
      %add3A_817 = arith.constant 1 : i32
      %add3A_818 = arith.addi %add3A_816, %add3A_817 : i32
      %dma_start3A_819 = arith.constant 7 : i32
      %dma_start3A_820 = arith.constant 0 : i32
      %dma_start3A_821 = tpu.memref_slice %arg6[%add3A_818, %dma_start3A_819, %dma_start3A_820] : memref<64x8x64xf32, #tpu.memory_space<vmem>> -> memref<1x1x64xf32, #tpu.memory_space<vmem>>
      %dma_start3A_822 = tpu.memref_squeeze %dma_start3A_821 : memref<1x1x64xf32, #tpu.memory_space<vmem>> -> memref<64xf32, #tpu.memory_space<vmem>>
      %dma_start3A_823 = arith.constant 0 : i32
      %dma_start3A_824 = tpu.memref_slice %arg2[%shift_right_arithmetic3A_810, %and3A_812, %dma_start3A_823] : memref<125000x8x64xf32, #tpu.memory_space<hbm>> -> memref<1x1x64xf32, #tpu.memory_space<hbm>>
      %dma_start3A_825 = tpu.memref_squeeze %dma_start3A_824 : memref<1x1x64xf32, #tpu.memory_space<hbm>> -> memref<64xf32, #tpu.memory_space<hbm>>
      %dma_start3A_826 = arith.constant 0 : i32
      %dma_start3A_827 = tpu.memref_slice %arg6[%add3A_818, %dma_start3A_819, %dma_start3A_826] : memref<64x8x64xf32, #tpu.memory_space<vmem>> -> memref<1x1x64xf32, #tpu.memory_space<vmem>>
      %dma_start3A_828 = tpu.memref_squeeze %dma_start3A_827 : memref<1x1x64xf32, #tpu.memory_space<vmem>> -> memref<64xf32, #tpu.memory_space<vmem>>
      %dma_start3A_829 = arith.constant 0 : i32
      %dma_start3A_830 = tpu.memref_slice %arg2[%shift_right_arithmetic3A_810, %and3A_812, %dma_start3A_829] : memref<125000x8x64xf32, #tpu.memory_space<hbm>> -> memref<1x1x64xf32, #tpu.memory_space<hbm>>
      %dma_start3A_831 = tpu.memref_squeeze %dma_start3A_830 : memref<1x1x64xf32, #tpu.memory_space<hbm>> -> memref<64xf32, #tpu.memory_space<hbm>>
      tpu.enqueue_dma source(%dma_start3A_831 : memref<64xf32, #tpu.memory_space<hbm>>) target(%dma_start3A_828 : memref<64xf32, #tpu.memory_space<vmem>>) target_semaphore(%arg7 : memref<!tpu.dma_semaphore, #tpu.memory_space<semaphore_mem>>)
      %ge3A = arith.constant 2 : i32
      %ge3A_832 = arith.cmpi sge, %scan3A_23, %ge3A : i32
      %convert_element_type3A = arith.extui %ge3A_832 : i1 to i32
      %cond3A = arith.constant 0 : i32
      %cond3A_833 = arith.cmpi ne, %convert_element_type3A, %cond3A : i32
      scf.if %cond3A_833 {
        %sub3A = arith.constant 2 : i32
        %sub3A_834 = arith.subi %scan3A_23, %sub3A : i32
        %mul3A_835 = arith.constant 4 : i32
        %mul3A_836 = arith.muli %sub3A_834, %mul3A_835 : i32
        %dma_wait3A_837 = arith.constant 0 : i32
        %dma_wait3A_838 = arith.constant 0 : i32
        %dma_wait3A_839 = tpu.memref_slice %arg6[%mul3A_836, %dma_wait3A_837, %dma_wait3A_838] : memref<64x8x64xf32, #tpu.memory_space<vmem>> -> memref<4x8x64xf32, #tpu.memory_space<vmem>>
        %dma_wait3A_840 = arith.constant 0 : i32
        %dma_wait3A_841 = arith.constant 0 : i32
        %dma_wait3A_842 = arith.constant 0 : i32
        %dma_wait3A_843 = tpu.memref_slice %arg2[%dma_wait3A_840, %dma_wait3A_841, %dma_wait3A_842] : memref<125000x8x64xf32, #tpu.memory_space<hbm>> -> memref<4x8x64xf32, #tpu.memory_space<hbm>>
        %dma_wait3A_844 = arith.constant 0 : i32
        %dma_wait3A_845 = arith.constant 0 : i32
        %dma_wait3A_846 = tpu.memref_slice %arg6[%mul3A_836, %dma_wait3A_844, %dma_wait3A_845] : memref<64x8x64xf32, #tpu.memory_space<vmem>> -> memref<4x8x64xf32, #tpu.memory_space<vmem>>
        %dma_wait3A_847 = arith.constant 0 : i32
        %dma_wait3A_848 = arith.constant 0 : i32
        %dma_wait3A_849 = arith.constant 0 : i32
        %dma_wait3A_850 = tpu.memref_slice %arg2[%dma_wait3A_847, %dma_wait3A_848, %dma_wait3A_849] : memref<125000x8x64xf32, #tpu.memory_space<hbm>> -> memref<4x8x64xf32, #tpu.memory_space<hbm>>
        tpu.wait_dma2 semaphore(%arg7 : memref<!tpu.dma_semaphore, #tpu.memory_space<semaphore_mem>>) src(%dma_wait3A_850 : memref<4x8x64xf32, #tpu.memory_space<hbm>>) dst(%dma_wait3A_846 : memref<4x8x64xf32, #tpu.memory_space<vmem>>)
      } else {
      }
    }
    %scan3A_5 = arith.constant 16 : i32
    %dma_wait3A = arith.constant 56 : i32
    %dma_wait3A_6 = arith.constant 0 : i32
    %dma_wait3A_7 = arith.constant 0 : i32
    %dma_wait3A_8 = tpu.memref_slice %arg6[%dma_wait3A, %dma_wait3A_6, %dma_wait3A_7] : memref<64x8x64xf32, #tpu.memory_space<vmem>> -> memref<8x8x64xf32, #tpu.memory_space<vmem>>
    %dma_wait3A_9 = arith.constant 0 : i32
    %dma_wait3A_10 = arith.constant 0 : i32
    %dma_wait3A_11 = arith.constant 0 : i32
    %dma_wait3A_12 = tpu.memref_slice %arg2[%dma_wait3A_9, %dma_wait3A_10, %dma_wait3A_11] : memref<125000x8x64xf32, #tpu.memory_space<hbm>> -> memref<8x8x64xf32, #tpu.memory_space<hbm>>
    %dma_wait3A_13 = arith.constant 56 : i32
    %dma_wait3A_14 = arith.constant 0 : i32
    %dma_wait3A_15 = arith.constant 0 : i32
    %dma_wait3A_16 = tpu.memref_slice %arg6[%dma_wait3A_13, %dma_wait3A_14, %dma_wait3A_15] : memref<64x8x64xf32, #tpu.memory_space<vmem>> -> memref<8x8x64xf32, #tpu.memory_space<vmem>>
    %dma_wait3A_17 = arith.constant 0 : i32
    %dma_wait3A_18 = arith.constant 0 : i32
    %dma_wait3A_19 = arith.constant 0 : i32
    %dma_wait3A_20 = tpu.memref_slice %arg2[%dma_wait3A_17, %dma_wait3A_18, %dma_wait3A_19] : memref<125000x8x64xf32, #tpu.memory_space<hbm>> -> memref<8x8x64xf32, #tpu.memory_space<hbm>>
    tpu.wait_dma2 semaphore(%arg7 : memref<!tpu.dma_semaphore, #tpu.memory_space<semaphore_mem>>) src(%dma_wait3A_20 : memref<8x8x64xf32, #tpu.memory_space<hbm>>) dst(%dma_wait3A_16 : memref<8x8x64xf32, #tpu.memory_space<vmem>>)
    %mul3A_21 = arith.constant 64 : i32
    %mul3A_22 = arith.muli %add3A, %mul3A_21 : i32
    "tpu.region"() ({
      %run_scoped3A = tpu.sem_alloc : memref<!tpu.dma_semaphore, #tpu.memory_space<semaphore_mem>>
      %dma_start3A = arith.constant 0 : i32
      %dma_start3A_23 = arith.constant 0 : i32
      %dma_start3A_24 = tpu.memref_slice %arg4[%mul3A_22, %dma_start3A, %dma_start3A_23] : memref<2048x8x64xf32, #tpu.memory_space<hbm>> -> memref<64x8x64xf32, #tpu.memory_space<hbm>>
      %dma_start3A_25 = arith.constant 0 : i32
      %dma_start3A_26 = arith.constant 0 : i32
      %dma_start3A_27 = tpu.memref_slice %arg4[%mul3A_22, %dma_start3A_25, %dma_start3A_26] : memref<2048x8x64xf32, #tpu.memory_space<hbm>> -> memref<64x8x64xf32, #tpu.memory_space<hbm>>
      tpu.enqueue_dma source(%arg6 : memref<64x8x64xf32, #tpu.memory_space<vmem>>) target(%dma_start3A_27 : memref<64x8x64xf32, #tpu.memory_space<hbm>>) target_semaphore(%run_scoped3A : memref<!tpu.dma_semaphore, #tpu.memory_space<semaphore_mem>>)
      %dma_wait3A_28 = arith.constant 0 : i32
      %dma_wait3A_29 = arith.constant 0 : i32
      %dma_wait3A_30 = tpu.memref_slice %arg4[%mul3A_22, %dma_wait3A_28, %dma_wait3A_29] : memref<2048x8x64xf32, #tpu.memory_space<hbm>> -> memref<64x8x64xf32, #tpu.memory_space<hbm>>
      %dma_wait3A_31 = arith.constant 0 : i32
      %dma_wait3A_32 = arith.constant 0 : i32
      %dma_wait3A_33 = tpu.memref_slice %arg4[%mul3A_22, %dma_wait3A_31, %dma_wait3A_32] : memref<2048x8x64xf32, #tpu.memory_space<hbm>> -> memref<64x8x64xf32, #tpu.memory_space<hbm>>
      tpu.wait_dma2 semaphore(%run_scoped3A : memref<!tpu.dma_semaphore, #tpu.memory_space<semaphore_mem>>) src(%arg6 : memref<64x8x64xf32, #tpu.memory_space<vmem>>) dst(%dma_wait3A_33 : memref<64x8x64xf32, #tpu.memory_space<hbm>>)
      tpu.yield
    }) : () -> ()
    return
  }
}

module attributes {stable_mosaic.version = 14 : i64} {
  func.func @_mlp_body(%arg0: i32, %arg1: memref<8192x64xf32, #tpu.memory_space<vmem>>, %arg2: memref<128x64xf32, #tpu.memory_space<vmem>>, %arg3: memref<128x1xf32, #tpu.memory_space<vmem>>, %arg4: memref<64x128xf32, #tpu.memory_space<vmem>>, %arg5: memref<64x1xf32, #tpu.memory_space<vmem>>, %arg6: memref<64x8192xf32, #tpu.memory_space<vmem>>) attributes {dimension_semantics = [#tpu.dimension_semantics<arbitrary>], iteration_bounds = array<i64: 2>, scalar_prefetch = 0 : i64, scratch_operands = 0 : i64, tpu.core_type = #tpu.core_type<tc>, window_params = [{transform_indices = @transform_0, window_bounds = array<i64: 8192, 64>}, {pipeline_mode = #tpu.pipeline_mode<synchronous>, transform_indices = @transform_1, window_bounds = array<i64: 128, 64>}, {pipeline_mode = #tpu.pipeline_mode<synchronous>, transform_indices = @transform_2, window_bounds = array<i64: 128, 1>}, {pipeline_mode = #tpu.pipeline_mode<synchronous>, transform_indices = @transform_3, window_bounds = array<i64: 64, 128>}, {pipeline_mode = #tpu.pipeline_mode<synchronous>, transform_indices = @transform_4, window_bounds = array<i64: 64, 1>}, {transform_indices = @transform_5, window_bounds = array<i64: 64, 8192>}]} {
    %get3A = arith.constant 0 : index
    %get3A_0 = arith.constant 0 : index
    %get3A_1 = vector.load %arg2[%get3A, %get3A_0] : memref<128x64xf32, #tpu.memory_space<vmem>>, vector<128x64xf32>
    %get3A_2 = arith.constant 0 : index
    %get3A_3 = arith.constant 0 : index
    %get3A_4 = vector.load %arg1[%get3A_2, %get3A_3] : memref<8192x64xf32, #tpu.memory_space<vmem>>, vector<8192x64xf32>
    %dot_general3A = arith.constant dense<0.000000e+00> : vector<128x8192xf32>
    %dot_general3A_5 = tpu.matmul %get3A_1, %get3A_4, %dot_general3A {dimension_numbers = #tpu.dot_dimension_numbers<[1], [1], [0], [0], [0, 0, 1, 0], [], []>, transpose_lhs_hint = false} : vector<128x64xf32>, vector<8192x64xf32>, vector<128x8192xf32> -> vector<128x8192xf32>
    %get3A_6 = arith.constant 0 : index
    %get3A_7 = arith.constant 0 : index
    %get3A_8 = vector.load %arg3[%get3A_6, %get3A_7] : memref<128x1xf32, #tpu.memory_space<vmem>>, vector<128x1xf32>
    %add3A = vector.broadcast %get3A_8 : vector<128x1xf32> to vector<128x8192xf32>
    %add3A_9 = arith.addf %dot_general3A_5, %add3A : vector<128x8192xf32>
    %max3A = arith.constant 0.000000e+00 : f32
    %max3A_10 = vector.broadcast %max3A : f32 to vector<128x8192xf32>
    %max3A_11 = arith.maximumf %add3A_9, %max3A_10 : vector<128x8192xf32>
    %get3A_12 = arith.constant 0 : index
    %get3A_13 = arith.constant 0 : index
    %get3A_14 = vector.load %arg4[%get3A_12, %get3A_13] : memref<64x128xf32, #tpu.memory_space<vmem>>, vector<64x128xf32>
    %dot_general3A_15 = arith.constant dense<0.000000e+00> : vector<64x8192xf32>
    %dot_general3A_16 = tpu.matmul %get3A_14, %max3A_11, %dot_general3A_15 {dimension_numbers = #tpu.dot_dimension_numbers<[1], [0], [0], [1], [0, 0, 1, 1], [], []>, transpose_lhs_hint = false} : vector<64x128xf32>, vector<128x8192xf32>, vector<64x8192xf32> -> vector<64x8192xf32>
    %get3A_17 = arith.constant 0 : index
    %get3A_18 = arith.constant 0 : index
    %get3A_19 = vector.load %arg5[%get3A_17, %get3A_18] : memref<64x1xf32, #tpu.memory_space<vmem>>, vector<64x1xf32>
    %add3A_20 = vector.broadcast %get3A_19 : vector<64x1xf32> to vector<64x8192xf32>
    %add3A_21 = arith.addf %dot_general3A_16, %add3A_20 : vector<64x8192xf32>
    %swap3A = arith.constant 0 : index
    %swap3A_22 = arith.constant 0 : index
    %swap3A_23 = vector.load %arg6[%swap3A, %swap3A_22] : memref<64x8192xf32, #tpu.memory_space<vmem>>, vector<64x8192xf32>
    tpu.vector_store %arg6[%swap3A, %swap3A_22], %add3A_21 {strides = array<i32>} : memref<64x8192xf32, #tpu.memory_space<vmem>>, vector<64x8192xf32>,
    return
  }
  func.func @transform_0(%arg0: i32) -> (i32, i32) {
    %c0_i32 = arith.constant 0 : i32
    %c0_i32_0 = arith.constant 0 : i32
    return %arg0, %c0_i32 : i32, i32
  }
  func.func @transform_1(%arg0: i32) -> (i32, i32) {
    %c0_i32 = arith.constant 0 : i32
    %c0_i32_0 = arith.constant 0 : i32
    %c0_i32_1 = arith.constant 0 : i32
    return %c0_i32, %c0_i32_0 : i32, i32
  }
  func.func @transform_2(%arg0: i32) -> (i32, i32) {
    %c0_i32 = arith.constant 0 : i32
    %c0_i32_0 = arith.constant 0 : i32
    %c0_i32_1 = arith.constant 0 : i32
    return %c0_i32, %c0_i32_0 : i32, i32
  }
  func.func @transform_3(%arg0: i32) -> (i32, i32) {
    %c0_i32 = arith.constant 0 : i32
    %c0_i32_0 = arith.constant 0 : i32
    %c0_i32_1 = arith.constant 0 : i32
    return %c0_i32, %c0_i32_0 : i32, i32
  }
  func.func @transform_4(%arg0: i32) -> (i32, i32) {
    %c0_i32 = arith.constant 0 : i32
    %c0_i32_0 = arith.constant 0 : i32
    %c0_i32_1 = arith.constant 0 : i32
    return %c0_i32, %c0_i32_0 : i32, i32
  }
  func.func @transform_5(%arg0: i32) -> (i32, i32) {
    %c0_i32 = arith.constant 0 : i32
    %c0_i32_0 = arith.constant 0 : i32
    return %c0_i32, %arg0 : i32, i32
  }
}

</mosaic_0001>

<sc_bundles>
// kernel: kernel.4.cloned.1.call-start
scs
__scs_entry_jumppad:
0x0: {  	(pc) =	sbr.rel $0x88, $3  }
0x1: {  	(tag) =	ssettag $0x0;
	lr =	simm.s32 $0x1  }
0x2: {  	[smem:$0x3F9B] =	sst lr;
	_ =	strace $0xD0000000  }
0x3: {  	_ = 	snop  }
0x4: {  	_ = 	snop  }
0x5: {  	_ = 	snop  }
0x6: {  	_ = 	snop  }
0x7: {  	_ = 	snop  }
__scs_overlays_trampoline_lowered:
0x8: {  	[smem:$0x3FAA] =	sst s0  }
0x9: {  	[smem:$0x3FAB] =	sst s1  }
0xa: {  	[smem:$0x3FAC] =	sst s2  }
0xb: {  	[smem:$0x3FAD] =	sst s3  }
0xc: {  	[smem:$0x3FAE] =	sst s4  }
0xd: {  	[smem:$0x3FAF] =	sst s5  }
0xe: {  	[smem:$0x3FB0] =	sst s6  }
0xf: {  	[smem:$0x3FB1] =	sst s7  }
0x10: {  	[smem:$0x3FB2] =	sst s8  }
0x11: {  	[smem:$0x3FB3] =	sst s9;
	s0 =	simm.s32 @!p0 $0x0  }
0x12: {  	s1 =	sld [smem:$0x3F99];
	s0 =	simm.s32 @p0 $0x1  }
0x13: {  	[smem:$0x3FB4] =	sst s0;
	s0 =	simm.s32 @!p1 $0x0  }
0x14: {  	s2 =	sld [smem:$0x3F98];
	s0 =	simm.s32 @p1 $0x1  }
0x15: {  	[smem:$0x3FB5] =	sst s0;
	s0 =	simm.s32 @!p2 $0x0  }
0x16: {  	s3 =	sld [smem:$0x3FDB];
	s0 =	simm.s32 @p2 $0x1  }
0x17: {  	s4 =	simm.s32 $0x1BF5;
	[smem:$0x3FB7] =	sst s0  }
0x18: {  	s0 =	sld [smem:$0x3F9A];
	_ =	swait.ge [sflag:s4], $0x0  }
0x19: {  	s7 =	sld [smem:$0x3F9B]  }
0x1a: {  	s8 =	sadd.s32 $0xFFFFE003, lr  }
0x1b: {  	s9 =	sadd.s32 $0xFFFFFEF7, lr;
	s5 =	simm.s32 $0xFFFFFFFF;
	p2 =	slt.u32 s8, $0xFFFFF086  }
0x1c: {  	p1 =	slt.u32 s9, $0xF7A;
	s5 =	simm.s32 @!p2 $0x0  }
0x1d: {  	s5 =	simm.s32 @p1 $0x1;
	p0 =	seq.s32 s7, s2  }
0x1e: {  	s7 =	smul.u32 @!p0 $0xF7A, s2;
	p2 =	seq.s32 @!p0 s5, $0x0  }
0x1f: {  	s9 =	smul.u32 $0xF7A, s1;
	s8 =	simm.s32 @!p0 $0x1BF5;
	p2 =	por !p2, p0  }
0x20: {  	[sflag:s8] =	ssyncset.s32 @!p0 $0xFFFFF086;
	s6 =	sadd.s32 @!p0 s3, s7;
	s7 =	simm.s32 @!p0 $0x108  }
0x21: {  	s3 =	sadd.s32 s3, s9;
	s6 =	sadd.s32 @!p0 $0x88, s6;
	s7 =	simm.s32 @p2 $0x1082  }
0x22: {  	[simem:s7], [sflag:s8] =	dma.local @!p0 [hbm:s6], $0xF7A  }
0x23: {  	s9 =	sor.u32 $0xD0000000, s2;
	s6 =	simm.s32 $0x108;
	_ =	swait.ge @!p0 [sflag:s8], $0x0  }
0x24: {  	s3 =	sadd.s32 $0x88, s3;
	s6 =	simm.s32 @!p1 $0x1082;
	[sflag:s4] =	ssyncset.s32 $0xFFFFF086  }
0x25: {  	[simem:s6], [sflag:s4] =	dma.local [hbm:s3], $0xF7A  }
0x26: {  	[smem:$0x3F9B] =	sst s1;
	(tag) =	ssettag s2;
	_ =	strace s9  }
0x27: {  	s1 =	sld [smem:$0x3FAB]  }
0x28: {  	s2 =	sld [smem:$0x3FAC]  }
0x29: {  	s4 =	sld [smem:$0x3FAE]  }
0x2a: {  	p0 =	seq.s32 s5, $0x0;
	s5 =	sld [smem:$0x3FAF]  }
0x2b: {  	s6 =	sld [smem:$0x3FB0]  }
0x2c: {  	s7 =	sld [smem:$0x3FB1]  }
0x2d: {  	s3 =	simm.s32 $0x108;
	s8 =	sld [smem:$0x3FB2]  }
0x2e: {  	s3 =	simm.s32 @!p0 $0x1082;
	s9 =	sld [smem:$0x3FB3]  }
0x2f: {  	lr =	sadd.s32 s0, s3;
	s0 =	sld [smem:$0x3FAA]  }
0x30: {  	s3 =	sld [smem:$0x3FAD]  }
0x31: {  	[smem:$0x3FB6] =	sst s10  }
0x32: {  	s10 =	sld [smem:$0x3FB4];
	_ =	sdelay $0x3  }
0x33: {  	p0 =	seq.s32 s10, $0x1;
	s10 =	sld [smem:$0x3FB6];
	_ =	sdelay $0x3  }
0x34: {  	[smem:$0x3FB6] =	sst s10  }
0x35: {  	s10 =	sld [smem:$0x3FB5];
	_ =	sdelay $0x3  }
0x36: {  	p1 =	seq.s32 s10, $0x1;
	s10 =	sld [smem:$0x3FB6];
	_ =	sdelay $0x3  }
0x37: {  	[smem:$0x3FB6] =	sst s10  }
0x38: {  	s10 =	sld [smem:$0x3FB7]  }
0x39: {  	_ = 	snop;
	(pc) =	sbr.ind lr, $3  }
0x3a: {  	_ = 	snop  }
0x3b: {  	_ = 	snop  }
0x3c: {  	p2 =	seq.s32 s10, $0x1;
	s10 =	sld [smem:$0x3FB6]  }
0x3d: {  	_ =	shalt  }
0x3e: {  	_ =	shalt  }
0x3f: {  	_ =	shalt  }
0x40: {  	_ =	shalt  }
0x41: {  	_ =	shalt  }
0x42: {  	_ =	shalt  }
0x43: {  	_ =	shalt  }
0x44: {  	_ =	shalt  }
0x45: {  	_ =	shalt  }
0x46: {  	_ =	shalt  }
0x47: {  	_ =	shalt  }
0x48: {  	_ =	shalt  }
0x49: {  	_ =	shalt  }
0x4a: {  	_ =	shalt  }
0x4b: {  	_ =	shalt  }
0x4c: {  	_ =	shalt  }
0x4d: {  	_ =	shalt  }
0x4e: {  	_ =	shalt  }
0x4f: {  	_ =	shalt  }
0x50: {  	_ =	shalt  }
0x51: {  	_ =	shalt  }
0x52: {  	_ =	shalt  }
0x53: {  	_ =	shalt  }
0x54: {  	_ =	shalt  }
0x55: {  	_ =	shalt  }
0x56: {  	_ =	shalt  }
0x57: {  	_ =	shalt  }
0x58: {  	_ =	shalt  }
0x59: {  	_ =	shalt  }
0x5a: {  	_ =	shalt  }
0x5b: {  	_ =	shalt  }
0x5c: {  	_ =	shalt  }
0x5d: {  	_ =	shalt  }
0x5e: {  	_ =	shalt  }
0x5f: {  	_ =	shalt  }
0x60: {  	_ =	shalt  }
0x61: {  	_ =	shalt  }
0x62: {  	_ =	shalt  }
0x63: {  	_ =	shalt  }
0x64: {  	_ =	shalt  }
0x65: {  	_ =	shalt  }
0x66: {  	_ =	shalt  }
0x67: {  	_ =	shalt  }
0x68: {  	_ =	shalt  }
0x69: {  	_ =	shalt  }
0x6a: {  	_ =	shalt  }
0x6b: {  	_ =	shalt  }
0x6c: {  	_ =	shalt  }
0x6d: {  	_ =	shalt  }
0x6e: {  	_ =	shalt  }
0x6f: {  	_ =	shalt  }
0x70: {  	_ =	shalt  }
0x71: {  	_ =	shalt  }
0x72: {  	_ =	shalt  }
0x73: {  	_ =	shalt  }
0x74: {  	_ =	shalt  }
0x75: {  	_ =	shalt  }
0x76: {  	_ =	shalt  }
0x77: {  	_ =	shalt  }
0x78: {  	_ =	shalt  }
0x79: {  	_ =	shalt  }
0x7a: {  	_ =	shalt  }
0x7b: {  	_ =	shalt  }
0x7c: {  	_ =	shalt  }
0x7d: {  	_ =	shalt  }
0x7e: {  	_ =	shalt  }
0x7f: {  	_ =	shalt  }
0x80: {  	_ =	shalt  }
0x81: {  	_ =	shalt  }
0x82: {  	_ =	shalt  }
0x83: {  	_ =	shalt  }
0x84: {  	_ =	shalt  }
0x85: {  	_ =	shalt  }
0x86: {  	_ =	shalt  }
0x87: {  	_ =	shalt  }
.Lfunc_end0:
.L_simem_size_0:
called_computation_lowered:
.L_overlay_start_0:
0x88: {  	s2 =	sld [smem:$0x3FD9]  }
0x89: {  	s3 =	sld [smem:$0x3FFE];
	_ =	sdelay $0x1  }
0x8a: {  	s1 =	srdreg.scid  }
0x8b: {  	s0 =	sand.u32 $0x1, s1  }
0x8c: {  	s17 =	sshll.u32 s0, $0xA;
	s2 =	sadd.s32 s3, s2  }
0x8d: {  	s2 =	sadd.s32 s2, s17  }
0x8e: {  	[smem:$0x3FC2] =	sst s2  }
0x8f: {  	_ = 	snop  }
0x90: {  	s2 =	sld [smem:$0x3FD0];
	(tm) =	ssettm $0x1  }
0x91: {  	s18 =	sld [smem:$0x3FFB];
	_ =	sdelay $0x3  }
0x92: {  	_ =	strace s18  }
0x93: {  	s3 =	sld [smem:$0x3FFC];
	_ =	sdelay $0x3  }
0x94: {  	_ =	strace s3  }
0x95: {  	s3 =	sld [smem:$0x3FFD];
	_ =	sdelay $0x3  }
0x96: {  	_ =	strace s3  }
0x97: {  	_ =	strace $0x8FFFFFFF  }
0x98: {  	s19 =	sld [smem:$0x3FDB];
	_ =	sdelay $0x1  }
0x99: {  	s4 =	simm.s32 $_scs_section_size  }
0x9a: {  	s5 =	simm.s32 $_size__tile_overlayer_lowered;
	s6 =	simm.s32 $_tile_overlayer_lowered  }
0x9b: {  	s22 =	simm.s32 $0x1BFF;
	s21 =	sshll.u32 s6, $0x1;
	s3 =	sadd.s32 s4, s19  }
0x9c: {  	s7 =	simm.s32 $0x0;
	s20 =	sshll.u32 s5, $0x1;
	s5 =	sadd.s32 s21, s3  }
0x9d: {  	[timem:s7], [sflag:s22] =	dma.local [hbm:s5], s20  }
0x9e: {  	_ =	swait.ge [sflag:s22], s20  }
0x9f: {  	s4 =	ssub.s32 $0x0, s20;
	[sflag:s22] =	ssyncset.done $0x0  }
0xa0: {  	[sflag:s22] =	ssyncadd.s32 s4;
	_ =	sdelay $0x1  }
0xa1: {  	s23 =	simm.s32 $0x1B8B  }
0xa2: {  	_ =	swait.ge [sflag:s23], $0x1  }
0xa3: {  	[sflag:s23] =	ssyncset.done $0x0  }
0xa4: {  	s25 =	simm.s32 $0x1B8E;
	s24 =	sld [smem:$0x3FFE];
	[sflag:s23] =	ssyncadd.s32 $0xFFFFFFFF  }
0xa5: {  	s26 =	simm.s32 $execute0_lowered;
	[smem:$0x3FD2] =	sst s25  }
0xa6: {  	s5 =	sshll.u32 s26, $0x1;
	_ =	strace $0x80000046;
	[dreg:$0x1] =	wrdreg $0xFFFFFFFF  }
0xa7: {  	s28 =	simm.s32 $_size_execute0_lowered;
	s3 =	sadd.s32 s3, s5;
	[dreg:$0x0] =	wrdreg $0x0  }
0xa8: {  	s5 =	sshll.u32 s28, $0x1;
	[dreg:$0x2] =	wrdreg s3  }
0xa9: {  	[dreg:$0x3] =	wrdreg s5  }
0xaa: {  	[dreg:$0x4] =	wrdreg $0xC0  }
0xab: {  	_ =	task [dreg:s7], $0x5FFFF  }
0xac: {  	[dreg:$0x1] =	wrdreg $0xFFFFFFFF  }
0xad: {  	[dreg:$0x0] =	wrdreg $0x60  }
0xae: {  	[dreg:$0x2] =	wrdreg s24  }
0xaf: {  	[dreg:$0x3] =	wrdreg s2  }
0xb0: {  	[dreg:$0x4] =	wrdreg $0x9  }
0xb1: {  	_ =	task.clear_ibuf [dreg:s7], $0x5FFFF;
	_ =	strace $0x90000046  }
0xb2: {  	s29 =	simm.s32 $0x9;
	_ =	strace $0x80000048  }
0xb3: {  	_ =	swait.ge [sflag:s29], $0x1  }
0xb4: {  	[sflag:s29] =	ssyncadd.s32 $0xFFFFFFFF  }
0xb5: {  	_ =	strace $0x90000048  }
0xb6: {  	_ =	sfence  }
0xb7: {  	s30 =	sld [smem:$0x0];
	_ =	sdelay $0x2  }
0xb8: {  	s31 =	sshll.u32 s1, $0xD;
	s1 =	sshrl.u32 s1, $0x2  }
0xb9: {  	s3 =	sand.u32 $0x4000, s31;
	s1 =	sadd.s32 s1, s30  }
0xba: {  	s0 =	sor.u32 s3, s0;
	s1 =	sshll.u32 s1, $0x11  }
0xbb: {  	s0 =	sor.u32 s1, s0  }
0xbc: {  	s0 =	sadd.s32 $0x8F2B, s0  }
0xbd: {  	[sflag:s0] =	ssyncadd.remote.s32 $0x1  }
0xbe: {  	_ =	sfence.sel $0xFFFF  }
0xbf: {  	[dreg:$0x0] =	wrdreg $0xFFFFFFFF;
	(pc) =	sbr.abs _section_cstart, $3  }
0xc0: {  	[dreg:$0x1] =	wrdreg $0xFFFFFFFF  }
0xc1: {  	_ =	task.clear_ibuf [dreg:s7], $0x2FFFF;
	_ =	strace $0x9FFFFFFF  }
0xc2: {  	(tm) =	ssettm $0x7FFFFFFF  }
0xc3: {  	_ =	shalt  }
tec
execute0_lowered:
.L_overlay_start_1:
0x0: {  	(tag) =	ssettag $0x1  }
0x1: {  	s4 =	rddreg [dreg:$0x0]  }
0x2: {  	s5 =	rddreg [dreg:$0x1];
	s3 =	srdreg.scid  }
0x3: {  	s0 =	stileid.u32;
	s2 =	simm.s32 $0x0;
	s10 =	simm.s32 $0x1  }
0x4: {  	s12 =	simm.s32 $0x0;
	s6 =	sand.u32 $0x1, s3;
	s28 =	sshll.u32 s0, $0x1  }
0x5: {  	[smem:$0x7FF] =	sst s2;
	s3 =	sadd.s32 $0x1000, s4;
	s30 =	sshll.u32 s0, $0x7  }
0x6: {  	s7 =	sor.u32 s6, s28;
	_ =	strace $0x80000047;
	s29 =	ssub.s32 $0x2, s6  }
0x7: {  	s6 =	sand.u32 $0x600, s30;
	s8 =	sshll.u32 s7, $0xD;
	s7 =	sshll.u32 s7, $0x4  }
0x8: {  	s9 =	sshrl.u32 s29, $0x1;
	s5 =	sadd.s32 s5, s6;
	s31 =	sand.u32 $0x70, s7  }
0x9: {  	s8 =	sadd.s32 s8, s4;
	s9 =	ssub.s32 s29, s9;
	s4 =	sadd.s32 s31, s5  }
0xa: {  	s5 =	sadd.s32 $0xF43400, s8;
	s6 =	smax.u32 s9, $0x1;
	s9 =	simm.s32 $0x2  }
.LBB2_1:
0xb: {  	s0 =	simm.s32 $0x80;
	s1 =	simm.s32 $0x400  }
0xc: {  	[tilespmem:s2], [sflag:$0x2] =	stream.strided.gather [hbm4b:s4+s0], $0x200, s1, s0, $0x38;
	[tilespmem:$0x10200] =	vst v63  }
0xd: {  	_ =	swait.ge [sflag:s9], $0x200  }
0xe: {  	[sflag:s9] =	ssyncset.done $0x0  }
0xf: {  	s13 =	simm.s32 $0x10;
	[sflag:s9] =	ssyncadd.s32 $0xFFFFFE00  }
0x10: {  	v0 =	vld [tilespmem:s13+$0xFFFFFFF0];
	_ =	sdelay $0x4  }
0x11: {  	v0 =	vshll.u32 v0, $0x4  }
0x12: {  	(v2sf) =	vpush v0, $0x1  }
0x13: {  	(v2sf) =	vpush v0, $0x0  }
0x14: {  	(v2sf) =	vpush v0, $0x2  }
0x15: {  	(v2sf) =	vpush v0, $0x3;
	_ =	sdelay $0x1  }
0x16: {  	(v2sf) =	vpush v0, $0x4;
	_ =	sdelay $0x3  }
0x17: {  	(v2sf) =	vpush v0, $0x5;
	_ =	sdelay $0x1  }
0x18: {  	(v2sf) =	vpush v0, $0x6;
	_ =	sdelay $0x2  }
0x19: {  	s15 =	simm.s32 $0x800;
	s14 =	simm.s32 $0x880  }
0x1a: {  	s18 =	simm.s32 $0x200;
	s19 =	simm.s32 $0x280;
	s16 =	spop (v2sf);
	(v2sf) =	vpush v0, $0x7  }
0x1b: {  	s25 =	simm.s32 $0x380;
	s26 =	simm.s32 $0x400;
	s17 =	spop (v2sf)  }
0x1c: {  	s29 =	simm.s32 $0x480;
	s17 =	sand.u32 $0x1FFFFFF0, s17;
	s11 =	spop (v2sf)  }
0x1d: {  	(v2sf) =	vpush v0, $0x8;
	s16 =	sand.u32 $0x1FFFFFF0, s16;
	s17 =	sadd.s32 s3, s17;
	s20 =	spop (v2sf)  }
0x1e: {  	[tilespmem:s18], [sflag:$0x1] =	stream.linear.gather [hbm4b:s17+s2], $0x80, $0x38;
	[tilespmem:$0x10200] =	vst v63  }
0x1f: {  	(v2sf) =	vpush v0, $0x9;
	s16 =	sadd.s32 s3, s16;
	s18 =	sand.u32 $0x1FFFFFF0, s11;
	s21 =	spop (v2sf)  }
0x20: {  	(v2sf) =	vpush v0, $0xA;
	[tilespmem:s19], [sflag:$0x1] =	stream.linear.gather [hbm4b:s16+s2], $0x80, $0x38;
	[tilespmem:$0x10200] =	vst v63  }
0x21: {  	s22 =	sand.u32 $0x1FFFFFF0, s20;
	s18 =	sadd.s32 s3, s18;
	s19 =	simm.s32 $0x300  }
0x22: {  	(v2sf) =	vpush v0, $0xB;
	[tilespmem:s19], [sflag:$0x1] =	stream.linear.gather [hbm4b:s18+s2], $0x80, $0x38;
	[tilespmem:$0x10200] =	vst v63  }
0x23: {  	s23 =	sand.u32 $0x1FFFFFF0, s21;
	s24 =	spop (v2sf);
	s16 =	sadd.s32 s3, s22  }
0x24: {  	(v2sf) =	vpush v0, $0xC;
	[tilespmem:s25], [sflag:$0x1] =	stream.linear.gather [hbm4b:s16+s2], $0x80, $0x38;
	[tilespmem:$0x10200] =	vst v63  }
0x25: {  	s28 =	spop (v2sf);
	s19 =	sand.u32 $0x1FFFFFF0, s24;
	s18 =	sadd.s32 s3, s23  }
0x26: {  	(v2sf) =	vpush v0, $0xD;
	[tilespmem:s26], [sflag:$0x1] =	stream.linear.gather [hbm4b:s18+s2], $0x80, $0x38;
	[tilespmem:$0x10200] =	vst v63  }
0x27: {  	s31 =	simm.s32 $0x500;
	s30 =	sand.u32 $0x1FFFFFF0, s28;
	s19 =	sadd.s32 s3, s19  }
0x28: {  	(v2sf) =	vpush v0, $0xE;
	[tilespmem:s29], [sflag:$0x1] =	stream.linear.gather [hbm4b:s19+s2], $0x80, $0x38;
	[tilespmem:$0x10200] =	vst v63  }
0x29: {  	s1 =	simm.s32 $0x580;
	s18 =	sadd.s32 s3, s30;
	s0 =	spop (v2sf)  }
0x2a: {  	(v2sf) =	vpush v0, $0xF;
	[tilespmem:s31], [sflag:$0x1] =	stream.linear.gather [hbm4b:s18+s2], $0x80, $0x38;
	[tilespmem:$0x10200] =	vst v63  }
0x2b: {  	s17 =	simm.s32 $0x780;
	s22 =	simm.s32 $0x680;
	s7 =	sand.u32 $0x1FFFFFF0, s0  }
0x2c: {  	s24 =	simm.s32 $0x700;
	s8 =	spop (v2sf);
	s18 =	sadd.s32 s3, s7  }
0x2d: {  	[tilespmem:s1], [sflag:$0x1] =	stream.linear.gather [hbm4b:s18+s2], $0x80, $0x38;
	[tilespmem:$0x10200] =	vst v63  }
0x2e: {  	s19 =	sand.u32 $0x1FFFFFF0, s8;
	s11 =	spop (v2sf);
	s18 =	simm.s32 $0x600  }
0x2f: {  	s19 =	sadd.s32 s3, s19;
	s21 =	sand.u32 $0x1FFFFFF0, s11;
	s23 =	spop (v2sf)  }
0x30: {  	[tilespmem:s18], [sflag:$0x1] =	stream.linear.gather [hbm4b:s19+s2], $0x80, $0x38;
	[tilespmem:$0x10200] =	vst v63  }
0x31: {  	s25 =	spop (v2sf);
	s19 =	sadd.s32 s3, s21;
	s18 =	sand.u32 $0x1FFFFFF0, s23  }
0x32: {  	[tilespmem:s22], [sflag:$0x1] =	stream.linear.gather [hbm4b:s19+s2], $0x80, $0x38;
	[tilespmem:$0x10200] =	vst v63  }
0x33: {  	s26 =	spop (v2sf);
	s18 =	sadd.s32 s3, s18;
	s19 =	sand.u32 $0x1FFFFFF0, s25  }
0x34: {  	[tilespmem:s24], [sflag:$0x1] =	stream.linear.gather [hbm4b:s18+s2], $0x80, $0x38;
	[tilespmem:$0x10200] =	vst v63  }
0x35: {  	s29 =	sand.u32 $0x1FFFFFF0, s26;
	s30 =	spop (v2sf);
	s28 =	sadd.s32 s3, s19  }
0x36: {  	[tilespmem:s17], [sflag:$0x1] =	stream.linear.gather [hbm4b:s28+s2], $0x80, $0x38;
	[tilespmem:$0x10200] =	vst v63  }
0x37: {  	s31 =	sadd.s32 s3, s29;
	s0 =	sand.u32 $0x1FFFFFF0, s30;
	s1 =	spop (v2sf)  }
0x38: {  	[tilespmem:s15], [sflag:$0x1] =	stream.linear.gather [hbm4b:s31+s2], $0x80, $0x38;
	[tilespmem:$0x10200] =	vst v63  }
0x39: {  	s7 =	sadd.s32 s3, s0;
	s8 =	sand.u32 $0x1FFFFFF0, s1;
	s11 =	spop (v2sf)  }
0x3a: {  	[tilespmem:s14], [sflag:$0x1] =	stream.linear.gather [hbm4b:s7+s2], $0x80, $0x38;
	[tilespmem:$0x10200] =	vst v63  }
0x3b: {  	s18 =	simm.s32 $0x900;
	s19 =	sadd.s32 s3, s8;
	s20 =	sand.u32 $0x1FFFFFF0, s11  }
0x3c: {  	[tilespmem:s18], [sflag:$0x1] =	stream.linear.gather [hbm4b:s19+s2], $0x80, $0x38;
	[tilespmem:$0x10200] =	vst v63  }
0x3d: {  	s21 =	simm.s32 $0x980;
	s22 =	sadd.s32 s3, s20  }
0x3e: {  	[tilespmem:s21], [sflag:$0x1] =	stream.linear.gather [hbm4b:s22+s2], $0x80, $0x38;
	[tilespmem:$0x10200] =	vst v63  }
0x3f: {  	v63 =	vld [tilespmem:s13+$0x0];
	_ =	sdelay $0x4  }
0x40: {  	v0 =	vshll.u32 v63, $0x4  }
0x41: {  	(v2sf) =	vpush v0, $0x0;
	_ =	sdelay $0x1  }
0x42: {  	(v2sf) =	vpush v0, $0x1  }
0x43: {  	(v2sf) =	vpush v0, $0x2;
	_ =	sdelay $0x1  }
0x44: {  	(v2sf) =	vpush v0, $0x3  }
0x45: {  	(v2sf) =	vpush v0, $0x4;
	_ =	sdelay $0x1  }
0x46: {  	(v2sf) =	vpush v0, $0x5;
	_ =	sdelay $0x1  }
0x47: {  	(v2sf) =	vpush v0, $0x6;
	_ =	sdelay $0x2  }
0x48: {  	p1 =	por $0x1, $0x1;
	s26 =	simm.s32 $0xA80;
	s24 =	simm.s32 $0xA00  }
0x49: {  	s17 =	simm.s32 $0xE80;
	s15 =	simm.s32 $0x1100;
	s31 =	simm.s32 $0xB00;
	(v2sf) =	vpush v0, $0x7  }
0x4a: {  	s14 =	simm.s32 $0x0;
	s7 =	simm.s32 $0xB80;
	s23 =	spop (v2sf)  }
0x4b: {  	s11 =	simm.s32 $0xC00;
	s22 =	simm.s32 $0xC80;
	s16 =	sand.u32 $0x1FFFFFF0, s23  }
0x4c: {  	s13 =	simm.s32 $0x4000;
	s25 =	spop (v2sf);
	s16 =	sadd.s32 s3, s16  }
0x4d: {  	(v2sf) =	vpush v0, $0x8;
	s28 =	sand.u32 $0x1FFFFFF0, s25;
	s29 =	spop (v2sf);
	s25 =	simm.s32 $0xD00  }
0x4e: {  	(v2sf) =	vpush v0, $0x9;
	[tilespmem:s24], [sflag:$0x1] =	stream.linear.gather [hbm4b:s16+s2], $0x80, $0x38;
	[tilespmem:$0x10200] =	vst v63  }
0x4f: {  	s18 =	sadd.s32 s3, s28;
	s19 =	sand.u32 $0x1FFFFFF0, s29;
	s30 =	spop (v2sf)  }
0x50: {  	(v2sf) =	vpush v0, $0xA;
	s28 =	simm.s32 $0xD80;
	s16 =	simm.s32 $0x30;
	s8 =	spop (v2sf)  }
0x51: {  	[tilespmem:s26], [sflag:$0x1] =	stream.linear.gather [hbm4b:s18+s2], $0x80, $0x38;
	[tilespmem:$0x10200] =	vst v63  }
0x52: {  	(v2sf) =	vpush v0, $0xB;
	s0 =	sadd.s32 s3, s19;
	s1 =	sand.u32 $0x1FFFFFF0, s30;
	s20 =	spop (v2sf)  }
0x53: {  	[tilespmem:s31], [sflag:$0x1] =	stream.linear.gather [hbm4b:s0+s2], $0x80, $0x38;
	[tilespmem:$0x10200] =	vst v63  }
0x54: {  	(v2sf) =	vpush v0, $0xC;
	s19 =	sadd.s32 s3, s1;
	s18 =	sand.u32 $0x1FFFFFF0, s8;
	s21 =	spop (v2sf)  }
0x55: {  	[tilespmem:s7], [sflag:$0x1] =	stream.linear.gather [hbm4b:s19+s2], $0x80, $0x38;
	[tilespmem:$0x10200] =	vst v63  }
0x56: {  	(v2sf) =	vpush v0, $0xD;
	s18 =	sadd.s32 s3, s18;
	s24 =	sand.u32 $0x1FFFFFF0, s21;
	s19 =	sand.u32 $0x1FFFFFF0, s20  }
0x57: {  	[tilespmem:s11], [sflag:$0x1] =	stream.linear.gather [hbm4b:s18+s2], $0x80, $0x38;
	[tilespmem:$0x10200] =	vst v63  }
0x58: {  	s26 =	spop (v2sf);
	s31 =	simm.s32 $0xE00;
	s23 =	sadd.s32 s3, s19  }
0x59: {  	[tilespmem:s22], [sflag:$0x1] =	stream.linear.gather [hbm4b:s23+s2], $0x80, $0x38;
	[tilespmem:$0x10200] =	vst v63  }
0x5a: {  	(v2sf) =	vpush v0, $0xE;
	s7 =	simm.s32 $0xF00;
	s19 =	sadd.s32 s3, s24;
	s18 =	sand.u32 $0x1FFFFFF0, s26  }
0x5b: {  	[tilespmem:s25], [sflag:$0x1] =	stream.linear.gather [hbm4b:s19+s2], $0x80, $0x38;
	[tilespmem:$0x10200] =	vst v63  }
0x5c: {  	s11 =	simm.s32 $0xF80;
	s18 =	sadd.s32 s3, s18;
	s29 =	spop (v2sf);
	(v2sf) =	vpush v0, $0xF  }
0x5d: {  	s25 =	simm.s32 $0x1000;
	s19 =	sand.u32 $0x1FFFFFF0, s29;
	s30 =	spop (v2sf)  }
0x5e: {  	[tilespmem:s28], [sflag:$0x1] =	stream.linear.gather [hbm4b:s18+s2], $0x80, $0x38;
	[tilespmem:$0x10200] =	vst v63  }
0x5f: {  	s0 =	sadd.s32 s3, s19;
	s1 =	sand.u32 $0x1FFFFFF0, s30;
	s8 =	spop (v2sf)  }
0x60: {  	[tilespmem:s31], [sflag:$0x1] =	stream.linear.gather [hbm4b:s0+s2], $0x80, $0x38;
	[tilespmem:$0x10200] =	vst v63  }
0x61: {  	s19 =	sadd.s32 s3, s1;
	s18 =	sand.u32 $0x1FFFFFF0, s8;
	s20 =	spop (v2sf)  }
0x62: {  	[tilespmem:s17], [sflag:$0x1] =	stream.linear.gather [hbm4b:s19+s2], $0x80, $0x38;
	[tilespmem:$0x10200] =	vst v63  }
0x63: {  	s18 =	sadd.s32 s3, s18;
	s21 =	spop (v2sf);
	s19 =	sand.u32 $0x1FFFFFF0, s20  }
0x64: {  	[tilespmem:s7], [sflag:$0x1] =	stream.linear.gather [hbm4b:s18+s2], $0x80, $0x38;
	[tilespmem:$0x10200] =	vst v63  }
0x65: {  	s23 =	sand.u32 $0x1FFFFFF0, s21;
	s24 =	spop (v2sf);
	s22 =	sadd.s32 s3, s19  }
0x66: {  	[tilespmem:s11], [sflag:$0x1] =	stream.linear.gather [hbm4b:s22+s2], $0x80, $0x38;
	[tilespmem:$0x10200] =	vst v63  }
0x67: {  	s29 =	simm.s32 $0x1080;
	s26 =	sadd.s32 s3, s23;
	s28 =	sand.u32 $0x1FFFFFF0, s24  }
0x68: {  	[tilespmem:s25], [sflag:$0x1] =	stream.linear.gather [hbm4b:s26+s2], $0x80, $0x38;
	[tilespmem:$0x10200] =	vst v63  }
0x69: {  	s17 =	simm.s32 $0x0;
	s30 =	sadd.s32 s3, s28;
	s31 =	spop (v2sf)  }
0x6a: {  	[tilespmem:s29], [sflag:$0x1] =	stream.linear.gather [hbm4b:s30+s2], $0x80, $0x38;
	[tilespmem:$0x10200] =	vst v63  }
0x6b: {  	s18 =	simm.s32 @!p1 $0x1;
	s20 =	sand.u32 $0x1FFFFFF0, s31;
	s21 =	spop (v2sf)  }
.LBB2_2:
0x6c: {  	s19 =	sadd.s32 s3, s20  }
0x6d: {  	s20 =	sand.u32 $0x1FFFFFF0, s21;
	s21 =	smov.u32 s13;
	s13 =	sadd.s32 $0x4000, s13  }
0x6e: {  	[tilespmem:s15], [sflag:$0x1] =	stream.linear.gather [hbm4b:s19+s2], $0x80, $0x38;
	[tilespmem:$0x10200] =	vst v63  }
0x6f: {  	s14 =	sadd.s32 $0x1180, s14;
	p0 =	sne.s32 s13, $0x40000;
	s15 =	sadd.s32 s3, s20  }
0x70: {  	[tilespmem:s14], [sflag:$0x1] =	stream.linear.gather [hbm4b:s15+s2], $0x80, $0x38;
	[tilespmem:$0x10200] =	vst v63  }
0x71: {  	_ =	swait.ge @!p1 [sflag:s18], $0x1000  }
0x72: {  	[sflag:s18] =	ssyncset.done @!p1 $0x0  }
0x73: {  	s17 =	sadd.s32 $0x1, s17;
	[sflag:s18] =	ssyncadd.s32 @!p1 $0xFFFFF000  }
0x74: {  	v0 =	vld [tilespmem:s16+$0xFFFFFFF0];
	_ =	sdelay $0x4  }
0x75: {  	v0 =	vshll.u32 v0, $0x4  }
0x76: {  	(v2sf) =	vpush v0, $0x1  }
0x77: {  	(v2sf) =	vpush v0, $0x0  }
0x78: {  	(v2sf) =	vpush v0, $0x2  }
0x79: {  	(v2sf) =	vpush v0, $0x3  }
0x7a: {  	(v2sf) =	vpush v0, $0x4;
	_ =	sdelay $0x1  }
0x7b: {  	(v2sf) =	vpush v0, $0x5;
	_ =	sdelay $0x3  }
0x7c: {  	(v2sf) =	vpush v0, $0x6;
	_ =	sdelay $0x1  }
0x7d: {  	s14 =	sshra.s32 s21, $0x2  }
0x7e: {  	s19 =	sadd.s32 $0x800, s14;
	s15 =	sadd.s32 $0x1100, s14;
	s18 =	sadd.s32 $0x880, s14  }
0x7f: {  	s24 =	sadd.s32 $0x200, s14;
	s25 =	sadd.s32 $0x280, s14;
	s20 =	sadd.s32 $0x780, s14;
	(v2sf) =	vpush v0, $0x7  }
0x80: {  	s22 =	sadd.s32 $0x680, s14;
	s21 =	sadd.s32 $0x700, s14;
	s23 =	spop (v2sf)  }
0x81: {  	s28 =	sadd.s32 $0x300, s14;
	s26 =	sand.u32 $0x1FFFFFF0, s23;
	s23 =	spop (v2sf);
	(v2sf) =	vpush v0, $0x8  }
0x82: {  	s29 =	sand.u32 $0x1FFFFFF0, s23;
	s23 =	sadd.s32 $0x600, s14;
	s30 =	spop (v2sf)  }
0x83: {  	s29 =	sadd.s32 s3, s29;
	s30 =	sand.u32 $0x1FFFFFF0, s30;
	s31 =	spop (v2sf);
	(v2sf) =	vpush v0, $0x9  }
0x84: {  	s0 =	sadd.s32 $0x580, s14;
	s31 =	sand.u32 $0x1FFFFFF0, s31;
	s1 =	spop (v2sf)  }
0x85: {  	[tilespmem:s24], [sflag:$0x1] =	stream.linear.gather [hbm4b:s29+s2], $0x80, $0x38;
	(v2sf) =	vpush v0, $0xA;
	[tilespmem:$0x10200] =	vst v63  }
0x86: {  	s24 =	sadd.s32 s3, s26;
	s1 =	sand.u32 $0x1FFFFFF0, s1;
	s26 =	spop (v2sf)  }
0x87: {  	[tilespmem:s25], [sflag:$0x1] =	stream.linear.gather [hbm4b:s24+s2], $0x80, $0x38;
	(v2sf) =	vpush v0, $0xB;
	[tilespmem:$0x10200] =	vst v63  }
0x88: {  	s24 =	sadd.s32 s3, s30;
	s25 =	sadd.s32 $0x380, s14;
	s26 =	sand.u32 $0x1FFFFFF0, s26  }
0x89: {  	[tilespmem:s28], [sflag:$0x1] =	stream.linear.gather [hbm4b:s24+s2], $0x80, $0x38;
	(v2sf) =	vpush v0, $0xC;
	[tilespmem:$0x10200] =	vst v63  }
0x8a: {  	s24 =	sadd.s32 s3, s31;
	s28 =	sadd.s32 $0x400, s14;
	s29 =	spop (v2sf)  }
0x8b: {  	[tilespmem:s25], [sflag:$0x1] =	stream.linear.gather [hbm4b:s24+s2], $0x80, $0x38;
	(v2sf) =	vpush v0, $0xD;
	[tilespmem:$0x10200] =	vst v63  }
0x8c: {  	s1 =	sadd.s32 s3, s1;
	s24 =	sadd.s32 $0x480, s14;
	s25 =	sand.u32 $0x1FFFFFF0, s29  }
0x8d: {  	[tilespmem:s28], [sflag:$0x1] =	stream.linear.gather [hbm4b:s1+s2], $0x80, $0x38;
	(v2sf) =	vpush v0, $0xE;
	[tilespmem:$0x10200] =	vst v63  }
0x8e: {  	s1 =	sadd.s32 s3, s26;
	s26 =	sadd.s32 $0x500, s14;
	s28 =	spop (v2sf)  }
0x8f: {  	[tilespmem:s24], [sflag:$0x1] =	stream.linear.gather [hbm4b:s1+s2], $0x80, $0x38;
	(v2sf) =	vpush v0, $0xF;
	[tilespmem:$0x10200] =	vst v63  }
0x90: {  	s1 =	sadd.s32 s3, s25;
	s24 =	sand.u32 $0x1FFFFFF0, s28;
	s25 =	spop (v2sf)  }
0x91: {  	[tilespmem:s26], [sflag:$0x1] =	stream.linear.gather [hbm4b:s1+s2], $0x80, $0x38;
	[tilespmem:$0x10200] =	vst v63  }
0x92: {  	s1 =	sadd.s32 s3, s24;
	s24 =	sand.u32 $0x1FFFFFF0, s25;
	s25 =	spop (v2sf)  }
0x93: {  	[tilespmem:s0], [sflag:$0x1] =	stream.linear.gather [hbm4b:s1+s2], $0x80, $0x38;
	[tilespmem:$0x10200] =	vst v63  }
0x94: {  	s0 =	sadd.s32 s3, s24;
	s1 =	sand.u32 $0x1FFFFFF0, s25;
	s24 =	spop (v2sf)  }
0x95: {  	[tilespmem:s23], [sflag:$0x1] =	stream.linear.gather [hbm4b:s0+s2], $0x80, $0x38;
	[tilespmem:$0x10200] =	vst v63  }
0x96: {  	s0 =	sadd.s32 s3, s1;
	s1 =	sand.u32 $0x1FFFFFF0, s24;
	s23 =	spop (v2sf)  }
0x97: {  	[tilespmem:s22], [sflag:$0x1] =	stream.linear.gather [hbm4b:s0+s2], $0x80, $0x38;
	[tilespmem:$0x10200] =	vst v63  }
0x98: {  	s0 =	sadd.s32 s3, s1;
	s1 =	sand.u32 $0x1FFFFFF0, s23;
	s22 =	spop (v2sf)  }
0x99: {  	[tilespmem:s21], [sflag:$0x1] =	stream.linear.gather [hbm4b:s0+s2], $0x80, $0x38;
	[tilespmem:$0x10200] =	vst v63  }
0x9a: {  	s0 =	sadd.s32 s3, s1;
	s1 =	sand.u32 $0x1FFFFFF0, s22;
	s21 =	spop (v2sf)  }
0x9b: {  	[tilespmem:s20], [sflag:$0x1] =	stream.linear.gather [hbm4b:s0+s2], $0x80, $0x38;
	[tilespmem:$0x10200] =	vst v63  }
0x9c: {  	s0 =	sadd.s32 s3, s1;
	s1 =	sand.u32 $0x1FFFFFF0, s21;
	s20 =	spop (v2sf)  }
0x9d: {  	[tilespmem:s19], [sflag:$0x1] =	stream.linear.gather [hbm4b:s0+s2], $0x80, $0x38;
	[tilespmem:$0x10200] =	vst v63  }
0x9e: {  	s0 =	sadd.s32 s3, s1;
	s1 =	sand.u32 $0x1FFFFFF0, s20;
	s19 =	spop (v2sf)  }
0x9f: {  	[tilespmem:s18], [sflag:$0x1] =	stream.linear.gather [hbm4b:s0+s2], $0x80, $0x38;
	[tilespmem:$0x10200] =	vst v63  }
0xa0: {  	s1 =	sadd.s32 s3, s1;
	s0 =	sadd.s32 $0x900, s14;
	s18 =	sand.u32 $0x1FFFFFF0, s19  }
0xa1: {  	[tilespmem:s0], [sflag:$0x1] =	stream.linear.gather [hbm4b:s1+s2], $0x80, $0x38;
	[tilespmem:$0x10200] =	vst v63  }
0xa2: {  	s0 =	sadd.s32 $0x980, s14;
	s1 =	sadd.s32 s3, s18  }
0xa3: {  	[tilespmem:s0], [sflag:$0x1] =	stream.linear.gather [hbm4b:s1+s2], $0x80, $0x38;
	[tilespmem:$0x10200] =	vst v63  }
0xa4: {  	v0 =	vld [tilespmem:s16+$0x0];
	_ =	sdelay $0x4  }
0xa5: {  	v0 =	vshll.u32 v0, $0x4  }
0xa6: {  	(v2sf) =	vpush v0, $0x0  }
0xa7: {  	(v2sf) =	vpush v0, $0x1  }
0xa8: {  	(v2sf) =	vpush v0, $0x2;
	_ =	sdelay $0x1  }
0xa9: {  	(v2sf) =	vpush v0, $0x3;
	_ =	sdelay $0x1  }
0xaa: {  	(v2sf) =	vpush v0, $0x4;
	_ =	sdelay $0x1  }
0xab: {  	(v2sf) =	vpush v0, $0x5;
	_ =	sdelay $0x1  }
0xac: {  	p1 =	slt.u32 s17, $0x2;
	s16 =	sadd.s32 $0x20, s16;
	(v2sf) =	vpush v0, $0x6  }
0xad: {  	s20 =	sadd.s32 $0x1000, s14;
	s19 =	sadd.s32 $0x1080, s14;
	s18 =	simm.s32 @!p1 $0x1  }
0xae: {  	s23 =	sadd.s32 $0xE80, s14;
	s22 =	sadd.s32 $0xF00, s14;
	s21 =	sadd.s32 $0xF80, s14;
	(v2sf) =	vpush v0, $0x7  }
0xaf: {  	s26 =	sadd.s32 $0xD00, s14;
	s25 =	sadd.s32 $0xD80, s14;
	s24 =	sadd.s32 $0xE00, s14  }
0xb0: {  	s28 =	sadd.s32 $0xC80, s14;
	s0 =	sadd.s32 $0xB80, s14;
	s1 =	sadd.s32 $0xC00, s14;
	(v2sf) =	vpush v0, $0x8  }
0xb1: {  	s30 =	sadd.s32 $0xB00, s14;
	s29 =	sadd.s32 $0xA80, s14;
	s31 =	spop (v2sf)  }
0xb2: {  	s7 =	sadd.s32 $0xA00, s14;
	s31 =	sand.u32 $0x1FFFFFF0, s31;
	s8 =	spop (v2sf);
	(v2sf) =	vpush v0, $0x9  }
0xb3: {  	s31 =	sadd.s32 s3, s31;
	s8 =	sand.u32 $0x1FFFFFF0, s8;
	s11 =	spop (v2sf)  }
0xb4: {  	[tilespmem:s7], [sflag:$0x1] =	stream.linear.gather [hbm4b:s31+s2], $0x80, $0x38;
	(v2sf) =	vpush v0, $0xA;
	[tilespmem:$0x10200] =	vst v63  }
0xb5: {  	s7 =	sadd.s32 s3, s8;
	s8 =	sand.u32 $0x1FFFFFF0, s11;
	s11 =	spop (v2sf)  }
0xb6: {  	[tilespmem:s29], [sflag:$0x1] =	stream.linear.gather [hbm4b:s7+s2], $0x80, $0x38;
	(v2sf) =	vpush v0, $0xB;
	[tilespmem:$0x10200] =	vst v63  }
0xb7: {  	s7 =	sadd.s32 s3, s8;
	s8 =	sand.u32 $0x1FFFFFF0, s11;
	s11 =	spop (v2sf)  }
0xb8: {  	[tilespmem:s30], [sflag:$0x1] =	stream.linear.gather [hbm4b:s7+s2], $0x80, $0x38;
	(v2sf) =	vpush v0, $0xC;
	[tilespmem:$0x10200] =	vst v63  }
0xb9: {  	s7 =	sadd.s32 s3, s8;
	s8 =	sand.u32 $0x1FFFFFF0, s11;
	s11 =	spop (v2sf)  }
0xba: {  	[tilespmem:s0], [sflag:$0x1] =	stream.linear.gather [hbm4b:s7+s2], $0x80, $0x38;
	(v2sf) =	vpush v0, $0xD;
	[tilespmem:$0x10200] =	vst v63  }
0xbb: {  	s0 =	sadd.s32 s3, s8;
	s7 =	sand.u32 $0x1FFFFFF0, s11;
	s8 =	spop (v2sf)  }
0xbc: {  	[tilespmem:s1], [sflag:$0x1] =	stream.linear.gather [hbm4b:s0+s2], $0x80, $0x38;
	(v2sf) =	vpush v0, $0xE;
	[tilespmem:$0x10200] =	vst v63  }
0xbd: {  	s0 =	sadd.s32 s3, s7;
	s1 =	sand.u32 $0x1FFFFFF0, s8;
	s7 =	spop (v2sf)  }
0xbe: {  	[tilespmem:s28], [sflag:$0x1] =	stream.linear.gather [hbm4b:s0+s2], $0x80, $0x38;
	(v2sf) =	vpush v0, $0xF;
	[tilespmem:$0x10200] =	vst v63  }
0xbf: {  	s0 =	sadd.s32 s3, s1;
	s1 =	sand.u32 $0x1FFFFFF0, s7;
	s7 =	spop (v2sf)  }
0xc0: {  	[tilespmem:s26], [sflag:$0x1] =	stream.linear.gather [hbm4b:s0+s2], $0x80, $0x38;
	[tilespmem:$0x10200] =	vst v63  }
0xc1: {  	s0 =	sadd.s32 s3, s1;
	s1 =	sand.u32 $0x1FFFFFF0, s7;
	s7 =	spop (v2sf)  }
0xc2: {  	[tilespmem:s25], [sflag:$0x1] =	stream.linear.gather [hbm4b:s0+s2], $0x80, $0x38;
	[tilespmem:$0x10200] =	vst v63  }
0xc3: {  	s0 =	sadd.s32 s3, s1;
	s1 =	sand.u32 $0x1FFFFFF0, s7;
	s7 =	spop (v2sf)  }
0xc4: {  	[tilespmem:s24], [sflag:$0x1] =	stream.linear.gather [hbm4b:s0+s2], $0x80, $0x38;
	[tilespmem:$0x10200] =	vst v63  }
0xc5: {  	s0 =	sadd.s32 s3, s1;
	s1 =	sand.u32 $0x1FFFFFF0, s7;
	s7 =	spop (v2sf)  }
0xc6: {  	[tilespmem:s23], [sflag:$0x1] =	stream.linear.gather [hbm4b:s0+s2], $0x80, $0x38;
	[tilespmem:$0x10200] =	vst v63  }
0xc7: {  	s0 =	sadd.s32 s3, s1;
	s1 =	sand.u32 $0x1FFFFFF0, s7;
	s7 =	spop (v2sf)  }
0xc8: {  	[tilespmem:s22], [sflag:$0x1] =	stream.linear.gather [hbm4b:s0+s2], $0x80, $0x38;
	[tilespmem:$0x10200] =	vst v63  }
0xc9: {  	s0 =	sadd.s32 s3, s1;
	s1 =	sand.u32 $0x1FFFFFF0, s7;
	s7 =	spop (v2sf)  }
0xca: {  	[tilespmem:s21], [sflag:$0x1] =	stream.linear.gather [hbm4b:s0+s2], $0x80, $0x38;
	[tilespmem:$0x10200] =	vst v63  }
.Ltmp0:
0xcb: {  	_ = 	snop;
	(pc) =	sbr.rel @p0 .LBB2_2-.Ltmp0, $4  }
0xcc: {  	s0 =	sadd.s32 s3, s1;
	s1 =	sand.u32 $0x1FFFFFF0, s7;
	s7 =	spop (v2sf)  }
0xcd: {  	[tilespmem:s20], [sflag:$0x1] =	stream.linear.gather [hbm4b:s0+s2], $0x80, $0x38;
	[tilespmem:$0x10200] =	vst v63  }
0xce: {  	s0 =	sadd.s32 s3, s1;
	s20 =	sand.u32 $0x1FFFFFF0, s7;
	s21 =	spop (v2sf)  }
0xcf: {  	[tilespmem:s19], [sflag:$0x1] =	stream.linear.gather [hbm4b:s0+s2], $0x80, $0x38;
	[tilespmem:$0x10200] =	vst v63  }
0xd0: {  	s0 =	sadd.s32 s3, s20;
	s1 =	sand.u32 $0x1FFFFFF0, s21  }
0xd1: {  	[tilespmem:s15], [sflag:$0x1] =	stream.linear.gather [hbm4b:s0+s2], $0x80, $0x38;
	[tilespmem:$0x10200] =	vst v63  }
0xd2: {  	s30 =	sadd.s32 $0x1180, s14;
	s1 =	sadd.s32 s3, s1  }
0xd3: {  	[tilespmem:s30], [sflag:$0x1] =	stream.linear.gather [hbm4b:s1+s2], $0x80, $0x38;
	[tilespmem:$0x10200] =	vst v63  }
0xd4: {  	_ =	swait.ge @!p1 [sflag:s18], $0x1000  }
0xd5: {  	[sflag:s18] =	ssyncset.done @!p1 $0x0  }
0xd6: {  	[sflag:s18] =	ssyncadd.s32 @!p1 $0xFFFFF000  }
0xd7: {  	s12 =	sadd.s32 $0x1, s12;
	_ =	swait.ge [sflag:s10], $0x2000  }
0xd8: {  	p0 =	sne.s32 s12, s6;
	[sflag:s10] =	ssyncset.done $0x0  }
.Ltmp1:
0xd9: {  	s31 =	simm.s32 $0x200;
	[sflag:s10] =	ssyncadd.s32 $0xFFFFE000;
	(pc) =	sbr.rel @p0 .LBB2_1-.Ltmp1, $4  }
0xda: {  	[hbm4b:s5+s2] =	stream.linear.scatter [tilespmem:s31], [sflag:$0x2], $0x10000, $0x38;
	[tilespmem:$0x10200] =	vst v63  }
0xdb: {  	_ =	swait.ge [sflag:s9], $0x10000  }
0xdc: {  	[sflag:s9] =	ssyncset.done $0x0  }
0xdd: {  	[sflag:s9] =	ssyncadd.s32 $0xFFFF0000  }
0xde: {  	_ =	sfence.sel $0x180000  }
0xdf: {  	[bflag:$0x0] =	sbarrier.arrive $0xFFFF  }
0xe0: {  	_ =	strace $0x90000047  }
0xe1: {  	s0 =	stileid.u32;
	[bflag:$0x2] =	sbarrier.arrive $0xFFFF  }
0xe2: {  	p0 =	sne.s32 s0, $0x0;
	s0 =	rddreg [dreg:$0x2]  }
0xe3: {  	s0 =	sadd.s32 @!p0 $0x100000, s0  }
0xe4: {  	[sflag:s0] =	ssyncadd.tile.s32 @!p0 $0x1;
	_ =	shalt  }
.Lfunc_end2:
_tile_overlayer_lowered:
.L_overlay_start_2:
0xe5: {  	(tag) =	ssettag $0x2  }
0xe6: {  	s0 =	rddreg [dreg:$0x0];
	s2 =	stileid.u32  }
0xe7: {  	s1 =	rddreg [dreg:$0x1];
	p0 =	sne.s32 s2, $0x0  }
0xe8: {  	s3 =	rddreg [dreg:$0x2];
	[bflag:$0x3] =	sbarrier.arrive $0xFFFF;
	s2 =	simm.s32 @!p0 $0x1C02  }
0xe9: {  	[timem:s3], [sflag:s2] =	dma.local @!p0 [hbm:s0], s1  }
0xea: {  	s0 =	simm.s32 @!p0 $0x2  }
0xeb: {  	_ =	swait.ge @!p0 [sflag:s0], s1  }
0xec: {  	s1 =	ssub.s32 @!p0 $0x0, s1;
	[sflag:s0] =	ssyncset.done @!p0 $0x0  }
0xed: {  	[sflag:s0] =	ssyncadd.s32 @!p0 s1  }
0xee: {  	[bflag:$0x3] =	sbarrier.arrive $0xFFFF  }
0xef: {  	_ =	shalt  }

</sc_bundles>
